<compile_context>
chip_gen: v7x
topology: tpu7x:2x2x1
jax: 0.10.2.dev20260603
libtpu: 0.0.44.dev20260713+nightly
codegen_flags: <defaults>
</compile_context>

<pallas_src>
import functools

import jax
import jax.numpy as jnp
from jax import lax
from jax.experimental import pallas as pl
from jax.experimental.pallas import tpu as pltpu
from jax.experimental.pallas import tpu_sc as plsc

N = 10000
E = 320000
D = 128

NC = 2
NS = 16
NW = NC * NS
EPW = E // NW
C = 80
NCHUNK = EPW // C
RPT = N // NS
ZB = 125

def _rne16(u):
    return (u + 0x7FFF + ((u >> 16) & 1)) >> 16


def _h_body(x_ref, w_ref, b_ref, h_ref):
    h = lax.dot_general(
        x_ref[...], w_ref[...], (((1,), (1,)), ((), ())),
        preferred_element_type=jnp.float32,
    ) + b_ref[...]
    rows = h.shape[0]
    lo = lax.bitcast_convert_type(lax.slice(h, (0, 0), (rows, D // 2)), jnp.uint32)
    hi = lax.bitcast_convert_type(lax.slice(h, (0, D // 2), (rows, D)), jnp.uint32)
    packed = (_rne16(lo) & 0xFFFF) | (_rne16(hi) << 16)
    h_ref[...] = packed.astype(jnp.int32)


def _h_tc(x, W, b2d):
    grid = 10
    xb = N // grid
    return pl.pallas_call(
        _h_body,
        grid=(grid,),
        in_specs=[
            pl.BlockSpec((xb, D), lambda i: (i, 0)),
            pl.BlockSpec((D, D), lambda i: (0, 0)),
            pl.BlockSpec((1, D), lambda i: (0, 0)),
        ],
        out_specs=pl.BlockSpec((xb, D // 2), lambda i: (i, 0)),
        out_shape=jax.ShapeDtypeStruct((N, D // 2), jnp.int32),
    )(x, W, b2d)


def _cv_body(cva_ref, src_ref, dst_ref, lw_ref, lb_ref, cv_ref, pk_ref):
    t = jnp.exp(-cva_ref[...])
    wsum = lb_ref[0, 0]
    for k in range(10):
        wsum = wsum + 0.5 * lw_ref[0, k]
    acc = jnp.zeros_like(t)
    p = t
    for k in range(10):
        acc = acc + (0.5 * lw_ref[0, k]) * p
        if k < 9:
            p = p * t
    cv_ref[...] = acc + wsum
    pk_ref[...] = src_ref[...] | (dst_ref[...] << 14)


def _cv_tc(curva2d, src2d, dst2d, lin_w, lin_b):
    full = pl.BlockSpec((E // 128, 128), lambda: (0, 0))
    return pl.pallas_call(
        _cv_body,
        in_specs=[
            full, full, full,
            pl.BlockSpec(memory_space=pltpu.SMEM),
            pl.BlockSpec(memory_space=pltpu.SMEM),
        ],
        out_specs=[full, full],
        out_shape=[
            jax.ShapeDtypeStruct((E // 128, 128), jnp.float32),
            jax.ShapeDtypeStruct((E // 128, 128), jnp.int32),
        ],
    )(curva2d, src2d, dst2d, lin_w, lin_b)


_GDN = lax.GatherDimensionNumbers(
    offset_dims=(), collapsed_slice_dims=(0,), start_index_map=(0,)
)


def _sc_body(h_hbm, pk_hbm, cv_hbm, out_hbm,
             pk_v, cv_v, src_a, src_b, dst_a, dst_b,
             hb_a, hb_b, rows_a, rows_b, acc_sh,
             lsem, gs_a, gs_b, ss_a, ss_b):
    cid = lax.axis_index("c")
    sid = lax.axis_index("s")
    wid = cid * NS + sid

    la = pltpu.async_copy(pk_hbm.at[wid], pk_v, lsem)
    lc = pltpu.async_copy(cv_hbm.at[wid], cv_v, lsem)

    def zrow(r, carry):
        for j in range(D // 16):
            rows_a[r, pl.ds(j * 16, 16)] = jnp.zeros((16,), jnp.float32)
        return carry
    lax.fori_loop(0, C, zrow, 0)
    row0 = sid * RPT
    for z in range(RPT // C):
        pltpu.sync_copy(rows_a, acc_sh.at[pl.ds(row0 + z * C, C)])
    rem = RPT - (RPT // C) * C
    pltpu.sync_copy(rows_a.at[pl.ds(0, rem)],
                    acc_sh.at[pl.ds(row0 + (RPT // C) * C, rem)])
    la.wait(); lc.wait()
    plsc.subcore_barrier()

    def unpack(i, srcb, dstb):
        def upg(g, carry):
            o = g * 16
            p = pk_v[pl.ds(i * C + o, 16)]
            srcb[pl.ds(o, 16)] = p & 0x3FFF
            dstb[pl.ds(o, 16)] = p >> 14
            return carry
        lax.fori_loop(0, C // 16, upg, 0)

    def scale(hb, rows, i):
        return
        def group_body(g, c2):
            cvec = cv_v[pl.ds(i * C + g * 16, 16)]
            e0 = g * 16
            for l in range(16):
                cl = lax.gather(
                    cvec, jnp.full((16, 1), l, jnp.int32), _GDN, slice_sizes=(1,),
                    mode=lax.GatherScatterMode.PROMISE_IN_BOUNDS,
                )
                e = e0 + l
                for j in range(D // 32):
                    v = hb[e, pl.ds(j * 16, 16)]
                    lo = plsc.bitcast(v << 16, jnp.float32)
                    hi = plsc.bitcast(v & jnp.int32(-65536), jnp.float32)
                    rows[e, pl.ds(j * 16, 16)] = lo * cl
                    rows[e, pl.ds(j * 16 + 64, 16)] = hi * cl
            return c2
        lax.fori_loop(0, C // 16, group_body, 0)

    def g_issue(hb, srcb, sem):
        pltpu.async_copy(h_hbm.at[srcb], hb, sem)

    def g_wait(hb, srcb, sem):
        pltpu.make_async_copy(h_hbm.at[srcb], hb, sem).wait()

    def s_issue(rows, dstb, sem):
        pltpu.async_copy(rows, acc_sh.at[dstb], sem, add=True)

    def s_wait(rows, dstb, sem):
        pltpu.make_async_copy(rows, acc_sh.at[dstb], sem).wait()

    unpack(0, src_a, dst_a)
    g_issue(hb_a, src_a, gs_a)
    unpack(1, src_b, dst_b)
    g_wait(hb_a, src_a, gs_a)
    g_issue(hb_b, src_b, gs_b)
    scale(hb_a, rows_a, 0)
    s_issue(rows_a, dst_a, ss_a)

    NPAIR = (NCHUNK - 1) // 2

    def pair_body(p, carry):
        ib = 2 * p + 1
        ia = 2 * p + 2
        g_wait(hb_b, src_b, gs_b)
        s_wait(rows_a, dst_a, ss_a)
        unpack(ia, src_a, dst_a)
        g_issue(hb_a, src_a, gs_a)
        scale(hb_b, rows_b, ib)
        s_issue(rows_b, dst_b, ss_b)
        g_wait(hb_a, src_a, gs_a)
        s_wait(rows_b, dst_b, ss_b)
        inext = jnp.minimum(ia + 1, NCHUNK - 1)
        unpack(inext, src_b, dst_b)
        g_issue(hb_b, src_b, gs_b)
        scale(hb_a, rows_a, ia)
        s_issue(rows_a, dst_a, ss_a)
        return carry
    lax.fori_loop(0, NPAIR, pair_body, 0)

    g_wait(hb_b, src_b, gs_b)
    s_wait(rows_a, dst_a, ss_a)
    plsc.subcore_barrier()

    for z in range(RPT // ZB):
        r = row0 + z * ZB
        pltpu.sync_copy(acc_sh.at[pl.ds(r, ZB)],
                        out_hbm.at[cid, sid * (RPT // ZB) + z])


@functools.cache
def _sc_scatter():
    return pl.kernel(
        _sc_body,
        out_type=jax.ShapeDtypeStruct((NC, N // ZB, ZB, D), jnp.float32),
        mesh=plsc.VectorSubcoreMesh(
            core_axis_name="c", subcore_axis_name="s", num_cores=NC, num_subcores=NS
        ),
        compiler_params=pltpu.CompilerParams(
            use_tc_tiling_on_sc=False, needs_layout_passes=False
        ),
        scratch_types=[
            pltpu.VMEM((EPW,), jnp.int32),
            pltpu.VMEM((EPW,), jnp.float32),
            pltpu.VMEM((C,), jnp.int32),
            pltpu.VMEM((C,), jnp.int32),
            pltpu.VMEM((C,), jnp.int32),
            pltpu.VMEM((C,), jnp.int32),
            pltpu.VMEM((C, D // 2), jnp.int32),
            pltpu.VMEM((C, D // 2), jnp.int32),
            pltpu.VMEM((C, D), jnp.float32),
            pltpu.VMEM((C, D), jnp.float32),
            pltpu.VMEM_SHARED((N, D), jnp.float32),
            pltpu.SemaphoreType.DMA,
            pltpu.SemaphoreType.DMA,
            pltpu.SemaphoreType.DMA,
            pltpu.SemaphoreType.DMA,
            pltpu.SemaphoreType.DMA,
        ],
    )


def _combine_body(p_ref, o_ref):
    o_ref[...] = jnp.maximum(p_ref[0] + p_ref[1], 0.0)


def _combine(partials):
    grid = 10
    rb = N // grid
    return pl.pallas_call(
        _combine_body,
        grid=(grid,),
        in_specs=[pl.BlockSpec((NC, rb, D), lambda i: (0, i, 0))],
        out_specs=pl.BlockSpec((rb, D), lambda i: (i, 0)),
        out_shape=jax.ShapeDtypeStruct((N, D), jnp.float32),
    )(partials)


def kernel(x, edge_index, curva, W, b, lin_w, lin_b):
    src = edge_index[0].astype(jnp.int32)
    dst = edge_index[1].astype(jnp.int32)
    h = _h_tc(x, W, b.reshape(1, D))
    cv, pk = _cv_tc(curva.reshape(E // 128, 128), src.reshape(E // 128, 128),
                    dst.reshape(E // 128, 128), lin_w, lin_b.reshape(1, 1))
    partials = _sc_scatter()(
        h, pk.reshape(NW, EPW), cv.reshape(NW, EPW)
    ).reshape(NC, N, D)
    return _combine(partials)

# --- scband reference (transcript-rebuilt; emitter-appended) ---
"""Pipeline reference for scband-curv-conv-68212670595579 (READ-ONLY COPY).

The authoritative reference and input builder live on the scoring server;
editing this copy changes nothing except your own understanding.
"""

import jax, jax.numpy as jnp
import numpy as np

N = 10000
E = 320000
DIM_IN = 128
DIM_OUT = 128


def setup_inputs(seed: int = 0) -> dict:
    key = jax.random.key(seed)
    k1, k2, k3, k4, k5, k6, k7 = jax.random.split(key, 7)
    x = jax.random.normal(k1, (N, DIM_IN), dtype=jnp.float32)
    edge_index = jax.random.randint(k2, (2, E), 0, N, dtype=jnp.int64)
    curva = jax.random.normal(k3, (E,), dtype=jnp.float32)
    # CurConv (GCN-style curvature-weighted conv) parameters
    W = jax.random.normal(k4, (DIM_OUT, DIM_IN), dtype=jnp.float32) * (1.0 / np.sqrt(DIM_IN))
    b = jnp.zeros((DIM_OUT,), dtype=jnp.float32)
    # lin: Linear(10, 1)
    lin_w = jax.random.normal(k5, (1, 10), dtype=jnp.float32) * (1.0 / np.sqrt(10.0))
    lin_b = jnp.zeros((1,), dtype=jnp.float32)
    return {"x": x, "edge_index": edge_index, "curva": curva, "W": W, "b": b, "lin_w": lin_w, "lin_b": lin_b}


def func_k(curve):
    # k = 1..10; cur = (1 + exp(-k * curve)) / 2; stacked along dim 1 -> [E, 10]
    ks = jnp.arange(1, 11, dtype=jnp.float32)
    return (1.0 + jnp.exp(-ks[None, :] * curve[:, None])) / 2.0


def reference(x, edge_index, curva, W, b, lin_w, lin_b):
    # curvature = self.lin(func_k(cur))  -> [E, 1]
    multi_curve = func_k(curva)
    curvature = multi_curve @ lin_w.T + lin_b
    # dropout is identity in eval mode
    # CurConv: curvature-weighted message passing (GCN-style)
    src = edge_index[0]
    dst = edge_index[1]
    h = x @ W.T + b                      # [N, dim_out]
    msgs = jnp.take(h, src, axis=0) * curvature   # [E, dim_out], weighted by per-edge curvature
    out = jax.ops.segment_sum(msgs, dst, num_segments=x.shape[0])
    out = jax.nn.relu(out)
    # second dropout is identity in eval mode
    return out

if __name__ == "__main__":
    import jax
    _d = setup_inputs()
    print(jax.jit(kernel)(*tuple(_d.values())))

</pallas_src>

<mosaic_0001>
#map = affine_map<(d0, d1) -> (0, 0)>
#map1 = affine_map<(d0, d1) -> (0, 0, 0, 0)>
module attributes {stable_mosaic.version = 14 : i64} {
  func.func @_sc_body(%arg0: i32, %arg1: i32, %arg2: memref<10000x64xi32, #tpu.memory_space<hbm>>, %arg3: memref<32x10000xi32, #tpu.memory_space<hbm>>, %arg4: memref<32x10000xf32, #tpu.memory_space<hbm>>, %arg5: memref<2x80x125x128xf32, #tpu.memory_space<hbm>>, %arg6: memref<10000xi32, #tpu.memory_space<vmem>>, %arg7: memref<10000xf32, #tpu.memory_space<vmem>>, %arg8: memref<80xi32, #tpu.memory_space<vmem>>, %arg9: memref<80xi32, #tpu.memory_space<vmem>>, %arg10: memref<80xi32, #tpu.memory_space<vmem>>, %arg11: memref<80xi32, #tpu.memory_space<vmem>>, %arg12: memref<80x64xi32, #tpu.memory_space<vmem>>, %arg13: memref<80x64xi32, #tpu.memory_space<vmem>>, %arg14: memref<80x128xf32, #tpu.memory_space<vmem>>, %arg15: memref<80x128xf32, #tpu.memory_space<vmem>>, %arg16: memref<10000x128xf32, #tpu.memory_space<vmem_shared>>, %arg17: memref<!tpu.dma_semaphore, #tpu.memory_space<semaphore_mem>>, %arg18: memref<!tpu.dma_semaphore, #tpu.memory_space<semaphore_mem>>, %arg19: memref<!tpu.dma_semaphore, #tpu.memory_space<semaphore_mem>>, %arg20: memref<!tpu.dma_semaphore, #tpu.memory_space<semaphore_mem>>, %arg21: memref<!tpu.dma_semaphore, #tpu.memory_space<semaphore_mem>>) attributes {dimension_semantics = [#tpu.dimension_semantics<core_parallel>, #tpu.dimension_semantics<subcore_parallel>], iteration_bounds = array<i64: 2, 16>, scalar_prefetch = 0 : i64, scratch_operands = 16 : i64, tpu.core_type = #tpu.core_type<sc_vector_subcore>, window_params = [{transform_indices = #map}, {transform_indices = #map}, {transform_indices = #map}, {transform_indices = #map1}]} {
    %mul3A = arith.constant 16 : i32
    %mul3A_0 = arith.muli %arg0, %mul3A : i32
    %add3A = arith.addi %mul3A_0, %arg1 : i32
    %dma_start3A = arith.constant 0 : i32
    %dma_start3A_1 = tpu.memref_slice %arg3[%add3A, %dma_start3A] : memref<32x10000xi32, #tpu.memory_space<hbm>> -> memref<1x10000xi32, #tpu.memory_space<hbm>>
    %dma_start3A_2 = tpu.memref_squeeze %dma_start3A_1 : memref<1x10000xi32, #tpu.memory_space<hbm>> -> memref<10000xi32, #tpu.memory_space<hbm>>
    %dma_start3A_3 = arith.constant 0 : i32
    %dma_start3A_4 = tpu.memref_slice %arg3[%add3A, %dma_start3A_3] : memref<32x10000xi32, #tpu.memory_space<hbm>> -> memref<1x10000xi32, #tpu.memory_space<hbm>>
    %dma_start3A_5 = tpu.memref_squeeze %dma_start3A_4 : memref<1x10000xi32, #tpu.memory_space<hbm>> -> memref<10000xi32, #tpu.memory_space<hbm>>
    tpu.enqueue_dma source(%dma_start3A_5 : memref<10000xi32, #tpu.memory_space<hbm>>) target(%arg6 : memref<10000xi32, #tpu.memory_space<vmem>>) target_semaphore(%arg17 : memref<!tpu.dma_semaphore, #tpu.memory_space<semaphore_mem>>)
    %dma_start3A_6 = arith.constant 0 : i32
    %dma_start3A_7 = tpu.memref_slice %arg4[%add3A, %dma_start3A_6] : memref<32x10000xf32, #tpu.memory_space<hbm>> -> memref<1x10000xf32, #tpu.memory_space<hbm>>
    %dma_start3A_8 = tpu.memref_squeeze %dma_start3A_7 : memref<1x10000xf32, #tpu.memory_space<hbm>> -> memref<10000xf32, #tpu.memory_space<hbm>>
    %dma_start3A_9 = arith.constant 0 : i32
    %dma_start3A_10 = tpu.memref_slice %arg4[%add3A, %dma_start3A_9] : memref<32x10000xf32, #tpu.memory_space<hbm>> -> memref<1x10000xf32, #tpu.memory_space<hbm>>
    %dma_start3A_11 = tpu.memref_squeeze %dma_start3A_10 : memref<1x10000xf32, #tpu.memory_space<hbm>> -> memref<10000xf32, #tpu.memory_space<hbm>>
    tpu.enqueue_dma source(%dma_start3A_11 : memref<10000xf32, #tpu.memory_space<hbm>>) target(%arg7 : memref<10000xf32, #tpu.memory_space<vmem>>) target_semaphore(%arg17 : memref<!tpu.dma_semaphore, #tpu.memory_space<semaphore_mem>>)
    %scan3A = arith.constant 0 : i32
    %scan3A_12 = arith.constant 0 : i32
    %scan3A_13 = arith.constant 80 : i32
    %scan3A_14 = arith.addi %scan3A_12, %scan3A_13 : i32
    %scan3A_15 = arith.constant 1 : i32
    scf.for %scan3A_113 = %scan3A_12 to %scan3A_14 step %scan3A_15  : i32 {
      %broadcast_in_dim3A = arith.constant 0.000000e+00 : f32
      %broadcast_in_dim3A_114 = vector.broadcast %broadcast_in_dim3A : f32 to vector<16xf32>
      %swap3A = arith.index_cast %scan3A_113 : i32 to index
      %swap3A_115 = arith.constant 0 : index
      %swap3A_116 = tpu.vector_load %arg14[%swap3A, %swap3A_115] {strides = array<i32>} : memref<80x128xf32, #tpu.memory_space<vmem>>, vector<16xf32>,
      tpu.vector_store %arg14[%swap3A, %swap3A_115], %broadcast_in_dim3A_114 {strides = array<i32>} : memref<80x128xf32, #tpu.memory_space<vmem>>, vector<16xf32>,
      %broadcast_in_dim3A_117 = arith.constant 0.000000e+00 : f32
      %broadcast_in_dim3A_118 = vector.broadcast %broadcast_in_dim3A_117 : f32 to vector<16xf32>
      %swap3A_119 = arith.index_cast %scan3A_113 : i32 to index
      %swap3A_120 = arith.constant 16 : index
      %swap3A_121 = tpu.vector_load %arg14[%swap3A_119, %swap3A_120] {strides = array<i32>} : memref<80x128xf32, #tpu.memory_space<vmem>>, vector<16xf32>,
      tpu.vector_store %arg14[%swap3A_119, %swap3A_120], %broadcast_in_dim3A_118 {strides = array<i32>} : memref<80x128xf32, #tpu.memory_space<vmem>>, vector<16xf32>,
      %broadcast_in_dim3A_122 = arith.constant 0.000000e+00 : f32
      %broadcast_in_dim3A_123 = vector.broadcast %broadcast_in_dim3A_122 : f32 to vector<16xf32>
      %swap3A_124 = arith.index_cast %scan3A_113 : i32 to index
      %swap3A_125 = arith.constant 32 : index
      %swap3A_126 = tpu.vector_load %arg14[%swap3A_124, %swap3A_125] {strides = array<i32>} : memref<80x128xf32, #tpu.memory_space<vmem>>, vector<16xf32>,
      tpu.vector_store %arg14[%swap3A_124, %swap3A_125], %broadcast_in_dim3A_123 {strides = array<i32>} : memref<80x128xf32, #tpu.memory_space<vmem>>, vector<16xf32>,
      %broadcast_in_dim3A_127 = arith.constant 0.000000e+00 : f32
      %broadcast_in_dim3A_128 = vector.broadcast %broadcast_in_dim3A_127 : f32 to vector<16xf32>
      %swap3A_129 = arith.index_cast %scan3A_113 : i32 to index
      %swap3A_130 = arith.constant 48 : index
      %swap3A_131 = tpu.vector_load %arg14[%swap3A_129, %swap3A_130] {strides = array<i32>} : memref<80x128xf32, #tpu.memory_space<vmem>>, vector<16xf32>,
      tpu.vector_store %arg14[%swap3A_129, %swap3A_130], %broadcast_in_dim3A_128 {strides = array<i32>} : memref<80x128xf32, #tpu.memory_space<vmem>>, vector<16xf32>,
      %broadcast_in_dim3A_132 = arith.constant 0.000000e+00 : f32
      %broadcast_in_dim3A_133 = vector.broadcast %broadcast_in_dim3A_132 : f32 to vector<16xf32>
      %swap3A_134 = arith.index_cast %scan3A_113 : i32 to index
      %swap3A_135 = arith.constant 64 : index
      %swap3A_136 = tpu.vector_load %arg14[%swap3A_134, %swap3A_135] {strides = array<i32>} : memref<80x128xf32, #tpu.memory_space<vmem>>, vector<16xf32>,
      tpu.vector_store %arg14[%swap3A_134, %swap3A_135], %broadcast_in_dim3A_133 {strides = array<i32>} : memref<80x128xf32, #tpu.memory_space<vmem>>, vector<16xf32>,
      %broadcast_in_dim3A_137 = arith.constant 0.000000e+00 : f32
      %broadcast_in_dim3A_138 = vector.broadcast %broadcast_in_dim3A_137 : f32 to vector<16xf32>
      %swap3A_139 = arith.index_cast %scan3A_113 : i32 to index
      %swap3A_140 = arith.constant 80 : index
      %swap3A_141 = tpu.vector_load %arg14[%swap3A_139, %swap3A_140] {strides = array<i32>} : memref<80x128xf32, #tpu.memory_space<vmem>>, vector<16xf32>,
      tpu.vector_store %arg14[%swap3A_139, %swap3A_140], %broadcast_in_dim3A_138 {strides = array<i32>} : memref<80x128xf32, #tpu.memory_space<vmem>>, vector<16xf32>,
      %broadcast_in_dim3A_142 = arith.constant 0.000000e+00 : f32
      %broadcast_in_dim3A_143 = vector.broadcast %broadcast_in_dim3A_142 : f32 to vector<16xf32>
      %swap3A_144 = arith.index_cast %scan3A_113 : i32 to index
      %swap3A_145 = arith.constant 96 : index
      %swap3A_146 = tpu.vector_load %arg14[%swap3A_144, %swap3A_145] {strides = array<i32>} : memref<80x128xf32, #tpu.memory_space<vmem>>, vector<16xf32>,
      tpu.vector_store %arg14[%swap3A_144, %swap3A_145], %broadcast_in_dim3A_143 {strides = array<i32>} : memref<80x128xf32, #tpu.memory_space<vmem>>, vector<16xf32>,
      %broadcast_in_dim3A_147 = arith.constant 0.000000e+00 : f32
      %broadcast_in_dim3A_148 = vector.broadcast %broadcast_in_dim3A_147 : f32 to vector<16xf32>
      %swap3A_149 = arith.index_cast %scan3A_113 : i32 to index
      %swap3A_150 = arith.constant 112 : index
      %swap3A_151 = tpu.vector_load %arg14[%swap3A_149, %swap3A_150] {strides = array<i32>} : memref<80x128xf32, #tpu.memory_space<vmem>>, vector<16xf32>,
      tpu.vector_store %arg14[%swap3A_149, %swap3A_150], %broadcast_in_dim3A_148 {strides = array<i32>} : memref<80x128xf32, #tpu.memory_space<vmem>>, vector<16xf32>,
    }
    %scan3A_16 = arith.constant 80 : i32
    %mul3A_17 = arith.constant 625 : i32
    %mul3A_18 = arith.muli %arg1, %mul3A_17 : i32
    %add3A_19 = arith.constant 0 : i32
    %add3A_20 = arith.addi %mul3A_18, %add3A_19 : i32
    "tpu.region"() ({
      %run_scoped3A = tpu.sem_alloc : memref<!tpu.dma_semaphore, #tpu.memory_space<semaphore_mem>>
      %dma_start3A_113 = arith.constant 0 : i32
      %dma_start3A_114 = tpu.memref_slice %arg16[%add3A_20, %dma_start3A_113] : memref<10000x128xf32, #tpu.memory_space<vmem_shared>> -> memref<80x128xf32, #tpu.memory_space<vmem_shared>>
      %dma_start3A_115 = arith.constant 0 : i32
      %dma_start3A_116 = tpu.memref_slice %arg16[%add3A_20, %dma_start3A_115] : memref<10000x128xf32, #tpu.memory_space<vmem_shared>> -> memref<80x128xf32, #tpu.memory_space<vmem_shared>>
      tpu.enqueue_dma source(%arg14 : memref<80x128xf32, #tpu.memory_space<vmem>>) target(%dma_start3A_116 : memref<80x128xf32, #tpu.memory_space<vmem_shared>>) target_semaphore(%run_scoped3A : memref<!tpu.dma_semaphore, #tpu.memory_space<semaphore_mem>>)
      %dma_wait3A_117 = arith.constant 0 : i32
      %dma_wait3A_118 = tpu.memref_slice %arg16[%add3A_20, %dma_wait3A_117] : memref<10000x128xf32, #tpu.memory_space<vmem_shared>> -> memref<80x128xf32, #tpu.memory_space<vmem_shared>>
      %dma_wait3A_119 = arith.constant 0 : i32
      %dma_wait3A_120 = tpu.memref_slice %arg16[%add3A_20, %dma_wait3A_119] : memref<10000x128xf32, #tpu.memory_space<vmem_shared>> -> memref<80x128xf32, #tpu.memory_space<vmem_shared>>
      tpu.wait_dma2 semaphore(%run_scoped3A : memref<!tpu.dma_semaphore, #tpu.memory_space<semaphore_mem>>) src(%arg14 : memref<80x128xf32, #tpu.memory_space<vmem>>) dst(%dma_wait3A_120 : memref<80x128xf32, #tpu.memory_space<vmem_shared>>)
      tpu.yield
    }) : () -> ()
    %add3A_21 = arith.constant 80 : i32
    %add3A_22 = arith.addi %mul3A_18, %add3A_21 : i32
    "tpu.region"() ({
      %run_scoped3A = tpu.sem_alloc : memref<!tpu.dma_semaphore, #tpu.memory_space<semaphore_mem>>
      %dma_start3A_113 = arith.constant 0 : i32
      %dma_start3A_114 = tpu.memref_slice %arg16[%add3A_22, %dma_start3A_113] : memref<10000x128xf32, #tpu.memory_space<vmem_shared>> -> memref<80x128xf32, #tpu.memory_space<vmem_shared>>
      %dma_start3A_115 = arith.constant 0 : i32
      %dma_start3A_116 = tpu.memref_slice %arg16[%add3A_22, %dma_start3A_115] : memref<10000x128xf32, #tpu.memory_space<vmem_shared>> -> memref<80x128xf32, #tpu.memory_space<vmem_shared>>
      tpu.enqueue_dma source(%arg14 : memref<80x128xf32, #tpu.memory_space<vmem>>) target(%dma_start3A_116 : memref<80x128xf32, #tpu.memory_space<vmem_shared>>) target_semaphore(%run_scoped3A : memref<!tpu.dma_semaphore, #tpu.memory_space<semaphore_mem>>)
      %dma_wait3A_117 = arith.constant 0 : i32
      %dma_wait3A_118 = tpu.memref_slice %arg16[%add3A_22, %dma_wait3A_117] : memref<10000x128xf32, #tpu.memory_space<vmem_shared>> -> memref<80x128xf32, #tpu.memory_space<vmem_shared>>
      %dma_wait3A_119 = arith.constant 0 : i32
      %dma_wait3A_120 = tpu.memref_slice %arg16[%add3A_22, %dma_wait3A_119] : memref<10000x128xf32, #tpu.memory_space<vmem_shared>> -> memref<80x128xf32, #tpu.memory_space<vmem_shared>>
      tpu.wait_dma2 semaphore(%run_scoped3A : memref<!tpu.dma_semaphore, #tpu.memory_space<semaphore_mem>>) src(%arg14 : memref<80x128xf32, #tpu.memory_space<vmem>>) dst(%dma_wait3A_120 : memref<80x128xf32, #tpu.memory_space<vmem_shared>>)
      tpu.yield
    }) : () -> ()
    %add3A_23 = arith.constant 160 : i32
    %add3A_24 = arith.addi %mul3A_18, %add3A_23 : i32
    "tpu.region"() ({
      %run_scoped3A = tpu.sem_alloc : memref<!tpu.dma_semaphore, #tpu.memory_space<semaphore_mem>>
      %dma_start3A_113 = arith.constant 0 : i32
      %dma_start3A_114 = tpu.memref_slice %arg16[%add3A_24, %dma_start3A_113] : memref<10000x128xf32, #tpu.memory_space<vmem_shared>> -> memref<80x128xf32, #tpu.memory_space<vmem_shared>>
      %dma_start3A_115 = arith.constant 0 : i32
      %dma_start3A_116 = tpu.memref_slice %arg16[%add3A_24, %dma_start3A_115] : memref<10000x128xf32, #tpu.memory_space<vmem_shared>> -> memref<80x128xf32, #tpu.memory_space<vmem_shared>>
      tpu.enqueue_dma source(%arg14 : memref<80x128xf32, #tpu.memory_space<vmem>>) target(%dma_start3A_116 : memref<80x128xf32, #tpu.memory_space<vmem_shared>>) target_semaphore(%run_scoped3A : memref<!tpu.dma_semaphore, #tpu.memory_space<semaphore_mem>>)
      %dma_wait3A_117 = arith.constant 0 : i32
      %dma_wait3A_118 = tpu.memref_slice %arg16[%add3A_24, %dma_wait3A_117] : memref<10000x128xf32, #tpu.memory_space<vmem_shared>> -> memref<80x128xf32, #tpu.memory_space<vmem_shared>>
      %dma_wait3A_119 = arith.constant 0 : i32
      %dma_wait3A_120 = tpu.memref_slice %arg16[%add3A_24, %dma_wait3A_119] : memref<10000x128xf32, #tpu.memory_space<vmem_shared>> -> memref<80x128xf32, #tpu.memory_space<vmem_shared>>
      tpu.wait_dma2 semaphore(%run_scoped3A : memref<!tpu.dma_semaphore, #tpu.memory_space<semaphore_mem>>) src(%arg14 : memref<80x128xf32, #tpu.memory_space<vmem>>) dst(%dma_wait3A_120 : memref<80x128xf32, #tpu.memory_space<vmem_shared>>)
      tpu.yield
    }) : () -> ()
    %add3A_25 = arith.constant 240 : i32
    %add3A_26 = arith.addi %mul3A_18, %add3A_25 : i32
    "tpu.region"() ({
      %run_scoped3A = tpu.sem_alloc : memref<!tpu.dma_semaphore, #tpu.memory_space<semaphore_mem>>
      %dma_start3A_113 = arith.constant 0 : i32
      %dma_start3A_114 = tpu.memref_slice %arg16[%add3A_26, %dma_start3A_113] : memref<10000x128xf32, #tpu.memory_space<vmem_shared>> -> memref<80x128xf32, #tpu.memory_space<vmem_shared>>
      %dma_start3A_115 = arith.constant 0 : i32
      %dma_start3A_116 = tpu.memref_slice %arg16[%add3A_26, %dma_start3A_115] : memref<10000x128xf32, #tpu.memory_space<vmem_shared>> -> memref<80x128xf32, #tpu.memory_space<vmem_shared>>
      tpu.enqueue_dma source(%arg14 : memref<80x128xf32, #tpu.memory_space<vmem>>) target(%dma_start3A_116 : memref<80x128xf32, #tpu.memory_space<vmem_shared>>) target_semaphore(%run_scoped3A : memref<!tpu.dma_semaphore, #tpu.memory_space<semaphore_mem>>)
      %dma_wait3A_117 = arith.constant 0 : i32
      %dma_wait3A_118 = tpu.memref_slice %arg16[%add3A_26, %dma_wait3A_117] : memref<10000x128xf32, #tpu.memory_space<vmem_shared>> -> memref<80x128xf32, #tpu.memory_space<vmem_shared>>
      %dma_wait3A_119 = arith.constant 0 : i32
      %dma_wait3A_120 = tpu.memref_slice %arg16[%add3A_26, %dma_wait3A_119] : memref<10000x128xf32, #tpu.memory_space<vmem_shared>> -> memref<80x128xf32, #tpu.memory_space<vmem_shared>>
      tpu.wait_dma2 semaphore(%run_scoped3A : memref<!tpu.dma_semaphore, #tpu.memory_space<semaphore_mem>>) src(%arg14 : memref<80x128xf32, #tpu.memory_space<vmem>>) dst(%dma_wait3A_120 : memref<80x128xf32, #tpu.memory_space<vmem_shared>>)
      tpu.yield
    }) : () -> ()
    %add3A_27 = arith.constant 320 : i32
    %add3A_28 = arith.addi %mul3A_18, %add3A_27 : i32
    "tpu.region"() ({
      %run_scoped3A = tpu.sem_alloc : memref<!tpu.dma_semaphore, #tpu.memory_space<semaphore_mem>>
      %dma_start3A_113 = arith.constant 0 : i32
      %dma_start3A_114 = tpu.memref_slice %arg16[%add3A_28, %dma_start3A_113] : memref<10000x128xf32, #tpu.memory_space<vmem_shared>> -> memref<80x128xf32, #tpu.memory_space<vmem_shared>>
      %dma_start3A_115 = arith.constant 0 : i32
      %dma_start3A_116 = tpu.memref_slice %arg16[%add3A_28, %dma_start3A_115] : memref<10000x128xf32, #tpu.memory_space<vmem_shared>> -> memref<80x128xf32, #tpu.memory_space<vmem_shared>>
      tpu.enqueue_dma source(%arg14 : memref<80x128xf32, #tpu.memory_space<vmem>>) target(%dma_start3A_116 : memref<80x128xf32, #tpu.memory_space<vmem_shared>>) target_semaphore(%run_scoped3A : memref<!tpu.dma_semaphore, #tpu.memory_space<semaphore_mem>>)
      %dma_wait3A_117 = arith.constant 0 : i32
      %dma_wait3A_118 = tpu.memref_slice %arg16[%add3A_28, %dma_wait3A_117] : memref<10000x128xf32, #tpu.memory_space<vmem_shared>> -> memref<80x128xf32, #tpu.memory_space<vmem_shared>>
      %dma_wait3A_119 = arith.constant 0 : i32
      %dma_wait3A_120 = tpu.memref_slice %arg16[%add3A_28, %dma_wait3A_119] : memref<10000x128xf32, #tpu.memory_space<vmem_shared>> -> memref<80x128xf32, #tpu.memory_space<vmem_shared>>
      tpu.wait_dma2 semaphore(%run_scoped3A : memref<!tpu.dma_semaphore, #tpu.memory_space<semaphore_mem>>) src(%arg14 : memref<80x128xf32, #tpu.memory_space<vmem>>) dst(%dma_wait3A_120 : memref<80x128xf32, #tpu.memory_space<vmem_shared>>)
      tpu.yield
    }) : () -> ()
    %add3A_29 = arith.constant 400 : i32
    %add3A_30 = arith.addi %mul3A_18, %add3A_29 : i32
    "tpu.region"() ({
      %run_scoped3A = tpu.sem_alloc : memref<!tpu.dma_semaphore, #tpu.memory_space<semaphore_mem>>
      %dma_start3A_113 = arith.constant 0 : i32
      %dma_start3A_114 = tpu.memref_slice %arg16[%add3A_30, %dma_start3A_113] : memref<10000x128xf32, #tpu.memory_space<vmem_shared>> -> memref<80x128xf32, #tpu.memory_space<vmem_shared>>
      %dma_start3A_115 = arith.constant 0 : i32
      %dma_start3A_116 = tpu.memref_slice %arg16[%add3A_30, %dma_start3A_115] : memref<10000x128xf32, #tpu.memory_space<vmem_shared>> -> memref<80x128xf32, #tpu.memory_space<vmem_shared>>
      tpu.enqueue_dma source(%arg14 : memref<80x128xf32, #tpu.memory_space<vmem>>) target(%dma_start3A_116 : memref<80x128xf32, #tpu.memory_space<vmem_shared>>) target_semaphore(%run_scoped3A : memref<!tpu.dma_semaphore, #tpu.memory_space<semaphore_mem>>)
      %dma_wait3A_117 = arith.constant 0 : i32
      %dma_wait3A_118 = tpu.memref_slice %arg16[%add3A_30, %dma_wait3A_117] : memref<10000x128xf32, #tpu.memory_space<vmem_shared>> -> memref<80x128xf32, #tpu.memory_space<vmem_shared>>
      %dma_wait3A_119 = arith.constant 0 : i32
      %dma_wait3A_120 = tpu.memref_slice %arg16[%add3A_30, %dma_wait3A_119] : memref<10000x128xf32, #tpu.memory_space<vmem_shared>> -> memref<80x128xf32, #tpu.memory_space<vmem_shared>>
      tpu.wait_dma2 semaphore(%run_scoped3A : memref<!tpu.dma_semaphore, #tpu.memory_space<semaphore_mem>>) src(%arg14 : memref<80x128xf32, #tpu.memory_space<vmem>>) dst(%dma_wait3A_120 : memref<80x128xf32, #tpu.memory_space<vmem_shared>>)
      tpu.yield
    }) : () -> ()
    %add3A_31 = arith.constant 480 : i32
    %add3A_32 = arith.addi %mul3A_18, %add3A_31 : i32
    "tpu.region"() ({
      %run_scoped3A = tpu.sem_alloc : memref<!tpu.dma_semaphore, #tpu.memory_space<semaphore_mem>>
      %dma_start3A_113 = arith.constant 0 : i32
      %dma_start3A_114 = tpu.memref_slice %arg16[%add3A_32, %dma_start3A_113] : memref<10000x128xf32, #tpu.memory_space<vmem_shared>> -> memref<80x128xf32, #tpu.memory_space<vmem_shared>>
      %dma_start3A_115 = arith.constant 0 : i32
      %dma_start3A_116 = tpu.memref_slice %arg16[%add3A_32, %dma_start3A_115] : memref<10000x128xf32, #tpu.memory_space<vmem_shared>> -> memref<80x128xf32, #tpu.memory_space<vmem_shared>>
      tpu.enqueue_dma source(%arg14 : memref<80x128xf32, #tpu.memory_space<vmem>>) target(%dma_start3A_116 : memref<80x128xf32, #tpu.memory_space<vmem_shared>>) target_semaphore(%run_scoped3A : memref<!tpu.dma_semaphore, #tpu.memory_space<semaphore_mem>>)
      %dma_wait3A_117 = arith.constant 0 : i32
      %dma_wait3A_118 = tpu.memref_slice %arg16[%add3A_32, %dma_wait3A_117] : memref<10000x128xf32, #tpu.memory_space<vmem_shared>> -> memref<80x128xf32, #tpu.memory_space<vmem_shared>>
      %dma_wait3A_119 = arith.constant 0 : i32
      %dma_wait3A_120 = tpu.memref_slice %arg16[%add3A_32, %dma_wait3A_119] : memref<10000x128xf32, #tpu.memory_space<vmem_shared>> -> memref<80x128xf32, #tpu.memory_space<vmem_shared>>
      tpu.wait_dma2 semaphore(%run_scoped3A : memref<!tpu.dma_semaphore, #tpu.memory_space<semaphore_mem>>) src(%arg14 : memref<80x128xf32, #tpu.memory_space<vmem>>) dst(%dma_wait3A_120 : memref<80x128xf32, #tpu.memory_space<vmem_shared>>)
      tpu.yield
    }) : () -> ()
    %add3A_33 = arith.constant 560 : i32
    %add3A_34 = arith.addi %mul3A_18, %add3A_33 : i32
    "tpu.region"() ({
      %run_scoped3A = tpu.sem_alloc : memref<!tpu.dma_semaphore, #tpu.memory_space<semaphore_mem>>
      %dma_start3A_113 = arith.constant 0 : i32
      %dma_start3A_114 = arith.constant 0 : i32
      %dma_start3A_115 = tpu.memref_slice %arg14[%dma_start3A_113, %dma_start3A_114] : memref<80x128xf32, #tpu.memory_space<vmem>> -> memref<65x128xf32, #tpu.memory_space<vmem>>
      %dma_start3A_116 = arith.constant 0 : i32
      %dma_start3A_117 = tpu.memref_slice %arg16[%add3A_34, %dma_start3A_116] : memref<10000x128xf32, #tpu.memory_space<vmem_shared>> -> memref<65x128xf32, #tpu.memory_space<vmem_shared>>
      %dma_start3A_118 = arith.constant 0 : i32
      %dma_start3A_119 = tpu.memref_slice %arg16[%add3A_34, %dma_start3A_118] : memref<10000x128xf32, #tpu.memory_space<vmem_shared>> -> memref<65x128xf32, #tpu.memory_space<vmem_shared>>
      %dma_start3A_120 = arith.constant 0 : i32
      %dma_start3A_121 = arith.constant 0 : i32
      %dma_start3A_122 = tpu.memref_slice %arg14[%dma_start3A_120, %dma_start3A_121] : memref<80x128xf32, #tpu.memory_space<vmem>> -> memref<65x128xf32, #tpu.memory_space<vmem>>
      tpu.enqueue_dma source(%dma_start3A_122 : memref<65x128xf32, #tpu.memory_space<vmem>>) target(%dma_start3A_119 : memref<65x128xf32, #tpu.memory_space<vmem_shared>>) target_semaphore(%run_scoped3A : memref<!tpu.dma_semaphore, #tpu.memory_space<semaphore_mem>>)
      %dma_wait3A_123 = arith.constant 0 : i32
      %dma_wait3A_124 = arith.constant 0 : i32
      %dma_wait3A_125 = tpu.memref_slice %arg14[%dma_wait3A_123, %dma_wait3A_124] : memref<80x128xf32, #tpu.memory_space<vmem>> -> memref<65x128xf32, #tpu.memory_space<vmem>>
      %dma_wait3A_126 = arith.constant 0 : i32
      %dma_wait3A_127 = tpu.memref_slice %arg16[%add3A_34, %dma_wait3A_126] : memref<10000x128xf32, #tpu.memory_space<vmem_shared>> -> memref<65x128xf32, #tpu.memory_space<vmem_shared>>
      %dma_wait3A_128 = arith.constant 0 : i32
      %dma_wait3A_129 = tpu.memref_slice %arg16[%add3A_34, %dma_wait3A_128] : memref<10000x128xf32, #tpu.memory_space<vmem_shared>> -> memref<65x128xf32, #tpu.memory_space<vmem_shared>>
      %dma_wait3A_130 = arith.constant 0 : i32
      %dma_wait3A_131 = arith.constant 0 : i32
      %dma_wait3A_132 = tpu.memref_slice %arg14[%dma_wait3A_130, %dma_wait3A_131] : memref<80x128xf32, #tpu.memory_space<vmem>> -> memref<65x128xf32, #tpu.memory_space<vmem>>
      tpu.wait_dma2 semaphore(%run_scoped3A : memref<!tpu.dma_semaphore, #tpu.memory_space<semaphore_mem>>) src(%dma_wait3A_132 : memref<65x128xf32, #tpu.memory_space<vmem>>) dst(%dma_wait3A_129 : memref<65x128xf32, #tpu.memory_space<vmem_shared>>)
      tpu.yield
    }) : () -> ()
    %dma_wait3A = arith.constant 0 : i32
    %dma_wait3A_35 = tpu.memref_slice %arg3[%add3A, %dma_wait3A] : memref<32x10000xi32, #tpu.memory_space<hbm>> -> memref<1x10000xi32, #tpu.memory_space<hbm>>
    %dma_wait3A_36 = tpu.memref_squeeze %dma_wait3A_35 : memref<1x10000xi32, #tpu.memory_space<hbm>> -> memref<10000xi32, #tpu.memory_space<hbm>>
    %dma_wait3A_37 = arith.constant 0 : i32
    %dma_wait3A_38 = tpu.memref_slice %arg3[%add3A, %dma_wait3A_37] : memref<32x10000xi32, #tpu.memory_space<hbm>> -> memref<1x10000xi32, #tpu.memory_space<hbm>>
    %dma_wait3A_39 = tpu.memref_squeeze %dma_wait3A_38 : memref<1x10000xi32, #tpu.memory_space<hbm>> -> memref<10000xi32, #tpu.memory_space<hbm>>
    tpu.wait_dma2 semaphore(%arg17 : memref<!tpu.dma_semaphore, #tpu.memory_space<semaphore_mem>>) src(%dma_wait3A_39 : memref<10000xi32, #tpu.memory_space<hbm>>) dst(%arg6 : memref<10000xi32, #tpu.memory_space<vmem>>)
    %dma_wait3A_40 = arith.constant 0 : i32
    %dma_wait3A_41 = tpu.memref_slice %arg4[%add3A, %dma_wait3A_40] : memref<32x10000xf32, #tpu.memory_space<hbm>> -> memref<1x10000xf32, #tpu.memory_space<hbm>>
    %dma_wait3A_42 = tpu.memref_squeeze %dma_wait3A_41 : memref<1x10000xf32, #tpu.memory_space<hbm>> -> memref<10000xf32, #tpu.memory_space<hbm>>
    %dma_wait3A_43 = arith.constant 0 : i32
    %dma_wait3A_44 = tpu.memref_slice %arg4[%add3A, %dma_wait3A_43] : memref<32x10000xf32, #tpu.memory_space<hbm>> -> memref<1x10000xf32, #tpu.memory_space<hbm>>
    %dma_wait3A_45 = tpu.memref_squeeze %dma_wait3A_44 : memref<1x10000xf32, #tpu.memory_space<hbm>> -> memref<10000xf32, #tpu.memory_space<hbm>>
    tpu.wait_dma2 semaphore(%arg17 : memref<!tpu.dma_semaphore, #tpu.memory_space<semaphore_mem>>) src(%dma_wait3A_45 : memref<10000xf32, #tpu.memory_space<hbm>>) dst(%arg7 : memref<10000xf32, #tpu.memory_space<vmem>>)
    %barrier3A = arith.constant 0 : index
    tpu.barrier barrier_id(%barrier3A)
    %scan3A_46 = arith.constant 0 : i32
    %scan3A_47 = arith.constant 0 : i32
    %scan3A_48 = arith.constant 5 : i32
    %scan3A_49 = arith.addi %scan3A_47, %scan3A_48 : i32
    %scan3A_50 = arith.constant 1 : i32
    scf.for %scan3A_113 = %scan3A_47 to %scan3A_49 step %scan3A_50  : i32 {
      %mul3A_114 = arith.constant 16 : i32
      %mul3A_115 = arith.muli %scan3A_113, %mul3A_114 : i32
      %add3A_116 = arith.constant 0 : i32
      %add3A_117 = arith.addi %add3A_116, %mul3A_115 : i32
      %get3A = arith.index_cast %add3A_117 : i32 to index
      %get3A_118 = tpu.vector_load %arg6[%get3A] {strides = array<i32>} : memref<10000xi32, #tpu.memory_space<vmem>>, vector<16xi32>,
      %and3A = arith.constant 16383 : i32
      %and3A_119 = vector.broadcast %and3A : i32 to vector<16xi32>
      %and3A_120 = arith.andi %get3A_118, %and3A_119 : vector<16xi32>
      %swap3A = arith.index_cast %mul3A_115 : i32 to index
      %swap3A_121 = tpu.vector_load %arg8[%swap3A] {strides = array<i32>} : memref<80xi32, #tpu.memory_space<vmem>>, vector<16xi32>,
      tpu.vector_store %arg8[%swap3A], %and3A_120 {strides = array<i32>} : memref<80xi32, #tpu.memory_space<vmem>>, vector<16xi32>,
      %shift_right_arithmetic3A = arith.constant 14 : i32
      %shift_right_arithmetic3A_122 = vector.broadcast %shift_right_arithmetic3A : i32 to vector<16xi32>
      %shift_right_arithmetic3A_123 = arith.shrsi %get3A_118, %shift_right_arithmetic3A_122 : vector<16xi32>
      %swap3A_124 = arith.index_cast %mul3A_115 : i32 to index
      %swap3A_125 = tpu.vector_load %arg10[%swap3A_124] {strides = array<i32>} : memref<80xi32, #tpu.memory_space<vmem>>, vector<16xi32>,
      tpu.vector_store %arg10[%swap3A_124], %shift_right_arithmetic3A_123 {strides = array<i32>} : memref<80xi32, #tpu.memory_space<vmem>>, vector<16xi32>,
    }
    %scan3A_51 = arith.constant 5 : i32
    %dma_start3A_52 = arith.constant 0 : i32
    %dma_start3A_53 = arith.constant 0 : i32
    %dma_start3A_54 = tpu.memref_slice %arg2[%dma_start3A_52, %dma_start3A_53] : memref<10000x64xi32, #tpu.memory_space<hbm>> -> memref<10000x64xi32, #tpu.memory_space<hbm>>
    tpu.enqueue_indirect_dma source(%dma_start3A_54 : memref<10000x64xi32, #tpu.memory_space<hbm>>) target(%arg12 : memref<80x64xi32, #tpu.memory_space<vmem>>) offsets(%arg8 : memref<80xi32, #tpu.memory_space<vmem>>) semaphore(%arg18 : memref<!tpu.dma_semaphore, #tpu.memory_space<semaphore_mem>>)
    %scan3A_55 = arith.constant 0 : i32
    %scan3A_56 = arith.constant 0 : i32
    %scan3A_57 = arith.constant 5 : i32
    %scan3A_58 = arith.addi %scan3A_56, %scan3A_57 : i32
    %scan3A_59 = arith.constant 1 : i32
    scf.for %scan3A_113 = %scan3A_56 to %scan3A_58 step %scan3A_59  : i32 {
      %mul3A_114 = arith.constant 16 : i32
      %mul3A_115 = arith.muli %scan3A_113, %mul3A_114 : i32
      %add3A_116 = arith.constant 80 : i32
      %add3A_117 = arith.addi %add3A_116, %mul3A_115 : i32
      %get3A = arith.index_cast %add3A_117 : i32 to index
      %get3A_118 = tpu.vector_load %arg6[%get3A] {strides = array<i32>} : memref<10000xi32, #tpu.memory_space<vmem>>, vector<16xi32>,
      %and3A = arith.constant 16383 : i32
      %and3A_119 = vector.broadcast %and3A : i32 to vector<16xi32>
      %and3A_120 = arith.andi %get3A_118, %and3A_119 : vector<16xi32>
      %swap3A = arith.index_cast %mul3A_115 : i32 to index
      %swap3A_121 = tpu.vector_load %arg9[%swap3A] {strides = array<i32>} : memref<80xi32, #tpu.memory_space<vmem>>, vector<16xi32>,
      tpu.vector_store %arg9[%swap3A], %and3A_120 {strides = array<i32>} : memref<80xi32, #tpu.memory_space<vmem>>, vector<16xi32>,
      %shift_right_arithmetic3A = arith.constant 14 : i32
      %shift_right_arithmetic3A_122 = vector.broadcast %shift_right_arithmetic3A : i32 to vector<16xi32>
      %shift_right_arithmetic3A_123 = arith.shrsi %get3A_118, %shift_right_arithmetic3A_122 : vector<16xi32>
      %swap3A_124 = arith.index_cast %mul3A_115 : i32 to index
      %swap3A_125 = tpu.vector_load %arg11[%swap3A_124] {strides = array<i32>} : memref<80xi32, #tpu.memory_space<vmem>>, vector<16xi32>,
      tpu.vector_store %arg11[%swap3A_124], %shift_right_arithmetic3A_123 {strides = array<i32>} : memref<80xi32, #tpu.memory_space<vmem>>, vector<16xi32>,
    }
    %scan3A_60 = arith.constant 5 : i32
    %dma_wait3A_61 = arith.constant 0 : i32
    %dma_wait3A_62 = arith.constant 0 : i32
    %dma_wait3A_63 = tpu.memref_slice %arg2[%dma_wait3A_61, %dma_wait3A_62] : memref<10000x64xi32, #tpu.memory_space<hbm>> -> memref<10000x64xi32, #tpu.memory_space<hbm>>
    tpu.wait_indirect_dma semaphore(%arg18 : memref<!tpu.dma_semaphore, #tpu.memory_space<semaphore_mem>>) src(%dma_wait3A_63 : memref<10000x64xi32, #tpu.memory_space<hbm>>) dst(%arg12 : memref<80x64xi32, #tpu.memory_space<vmem>>)
    %dma_start3A_64 = arith.constant 0 : i32
    %dma_start3A_65 = arith.constant 0 : i32
    %dma_start3A_66 = tpu.memref_slice %arg2[%dma_start3A_64, %dma_start3A_65] : memref<10000x64xi32, #tpu.memory_space<hbm>> -> memref<10000x64xi32, #tpu.memory_space<hbm>>
    tpu.enqueue_indirect_dma source(%dma_start3A_66 : memref<10000x64xi32, #tpu.memory_space<hbm>>) target(%arg13 : memref<80x64xi32, #tpu.memory_space<vmem>>) offsets(%arg9 : memref<80xi32, #tpu.memory_space<vmem>>) semaphore(%arg19 : memref<!tpu.dma_semaphore, #tpu.memory_space<semaphore_mem>>)
    %dma_start3A_67 = arith.constant 0 : i32
    %dma_start3A_68 = arith.constant 0 : i32
    %dma_start3A_69 = tpu.memref_slice %arg16[%dma_start3A_67, %dma_start3A_68] : memref<10000x128xf32, #tpu.memory_space<vmem_shared>> -> memref<10000x128xf32, #tpu.memory_space<vmem_shared>>
    tpu.enqueue_indirect_dma source(%arg14 : memref<80x128xf32, #tpu.memory_space<vmem>>) target(%dma_start3A_69 : memref<10000x128xf32, #tpu.memory_space<vmem_shared>>) offsets(%arg10 : memref<80xi32, #tpu.memory_space<vmem>>) semaphore(%arg20 : memref<!tpu.dma_semaphore, #tpu.memory_space<semaphore_mem>>) {add = true}
    %scan3A_70 = arith.constant 0 : i32
    %scan3A_71 = arith.constant 0 : i32
    %scan3A_72 = arith.constant 62 : i32
    %scan3A_73 = arith.addi %scan3A_71, %scan3A_72 : i32
    %scan3A_74 = arith.constant 1 : i32
    scf.for %scan3A_113 = %scan3A_71 to %scan3A_73 step %scan3A_74  : i32 {
      %mul3A_114 = arith.constant 2 : i32
      %mul3A_115 = arith.muli %mul3A_114, %scan3A_113 : i32
      %add3A_116 = arith.constant 1 : i32
      %add3A_117 = arith.addi %mul3A_115, %add3A_116 : i32
      %mul3A_118 = arith.constant 2 : i32
      %mul3A_119 = arith.muli %mul3A_118, %scan3A_113 : i32
      %add3A_120 = arith.constant 2 : i32
      %add3A_121 = arith.addi %mul3A_119, %add3A_120 : i32
      %dma_wait3A_122 = arith.constant 0 : i32
      %dma_wait3A_123 = arith.constant 0 : i32
      %dma_wait3A_124 = tpu.memref_slice %arg2[%dma_wait3A_122, %dma_wait3A_123] : memref<10000x64xi32, #tpu.memory_space<hbm>> -> memref<10000x64xi32, #tpu.memory_space<hbm>>
      tpu.wait_indirect_dma semaphore(%arg19 : memref<!tpu.dma_semaphore, #tpu.memory_space<semaphore_mem>>) src(%dma_wait3A_124 : memref<10000x64xi32, #tpu.memory_space<hbm>>) dst(%arg13 : memref<80x64xi32, #tpu.memory_space<vmem>>)
      %dma_wait3A_125 = arith.constant 0 : i32
      %dma_wait3A_126 = arith.constant 0 : i32
      %dma_wait3A_127 = tpu.memref_slice %arg16[%dma_wait3A_125, %dma_wait3A_126] : memref<10000x128xf32, #tpu.memory_space<vmem_shared>> -> memref<10000x128xf32, #tpu.memory_space<vmem_shared>>
      tpu.wait_indirect_dma semaphore(%arg20 : memref<!tpu.dma_semaphore, #tpu.memory_space<semaphore_mem>>) src(%arg14 : memref<80x128xf32, #tpu.memory_space<vmem>>) dst(%dma_wait3A_127 : memref<10000x128xf32, #tpu.memory_space<vmem_shared>>)
      %scan3A_128 = arith.constant 0 : i32
      %scan3A_129 = arith.constant 0 : i32
      %scan3A_130 = arith.constant 5 : i32
      %scan3A_131 = arith.addi %scan3A_129, %scan3A_130 : i32
      %scan3A_132 = arith.constant 1 : i32
      scf.for %scan3A_161 = %scan3A_129 to %scan3A_131 step %scan3A_132  : i32 {
        %mul3A_162 = arith.constant 16 : i32
        %mul3A_163 = arith.muli %scan3A_161, %mul3A_162 : i32
        %mul3A_164 = arith.constant 80 : i32
        %mul3A_165 = arith.muli %add3A_121, %mul3A_164 : i32
        %add3A_166 = arith.addi %mul3A_165, %mul3A_163 : i32
        %get3A = arith.index_cast %add3A_166 : i32 to index
        %get3A_167 = tpu.vector_load %arg6[%get3A] {strides = array<i32>} : memref<10000xi32, #tpu.memory_space<vmem>>, vector<16xi32>,
        %and3A = arith.constant 16383 : i32
        %and3A_168 = vector.broadcast %and3A : i32 to vector<16xi32>
        %and3A_169 = arith.andi %get3A_167, %and3A_168 : vector<16xi32>
        %swap3A = arith.index_cast %mul3A_163 : i32 to index
        %swap3A_170 = tpu.vector_load %arg8[%swap3A] {strides = array<i32>} : memref<80xi32, #tpu.memory_space<vmem>>, vector<16xi32>,
        tpu.vector_store %arg8[%swap3A], %and3A_169 {strides = array<i32>} : memref<80xi32, #tpu.memory_space<vmem>>, vector<16xi32>,
        %shift_right_arithmetic3A = arith.constant 14 : i32
        %shift_right_arithmetic3A_171 = vector.broadcast %shift_right_arithmetic3A : i32 to vector<16xi32>
        %shift_right_arithmetic3A_172 = arith.shrsi %get3A_167, %shift_right_arithmetic3A_171 : vector<16xi32>
        %swap3A_173 = arith.index_cast %mul3A_163 : i32 to index
        %swap3A_174 = tpu.vector_load %arg10[%swap3A_173] {strides = array<i32>} : memref<80xi32, #tpu.memory_space<vmem>>, vector<16xi32>,
        tpu.vector_store %arg10[%swap3A_173], %shift_right_arithmetic3A_172 {strides = array<i32>} : memref<80xi32, #tpu.memory_space<vmem>>, vector<16xi32>,
      }
      %scan3A_133 = arith.constant 5 : i32
      %dma_start3A_134 = arith.constant 0 : i32
      %dma_start3A_135 = arith.constant 0 : i32
      %dma_start3A_136 = tpu.memref_slice %arg2[%dma_start3A_134, %dma_start3A_135] : memref<10000x64xi32, #tpu.memory_space<hbm>> -> memref<10000x64xi32, #tpu.memory_space<hbm>>
      tpu.enqueue_indirect_dma source(%dma_start3A_136 : memref<10000x64xi32, #tpu.memory_space<hbm>>) target(%arg12 : memref<80x64xi32, #tpu.memory_space<vmem>>) offsets(%arg8 : memref<80xi32, #tpu.memory_space<vmem>>) semaphore(%arg18 : memref<!tpu.dma_semaphore, #tpu.memory_space<semaphore_mem>>)
      %dma_start3A_137 = arith.constant 0 : i32
      %dma_start3A_138 = arith.constant 0 : i32
      %dma_start3A_139 = tpu.memref_slice %arg16[%dma_start3A_137, %dma_start3A_138] : memref<10000x128xf32, #tpu.memory_space<vmem_shared>> -> memref<10000x128xf32, #tpu.memory_space<vmem_shared>>
      tpu.enqueue_indirect_dma source(%arg15 : memref<80x128xf32, #tpu.memory_space<vmem>>) target(%dma_start3A_139 : memref<10000x128xf32, #tpu.memory_space<vmem_shared>>) offsets(%arg11 : memref<80xi32, #tpu.memory_space<vmem>>) semaphore(%arg21 : memref<!tpu.dma_semaphore, #tpu.memory_space<semaphore_mem>>) {add = true}
      %dma_wait3A_140 = arith.constant 0 : i32
      %dma_wait3A_141 = arith.constant 0 : i32
      %dma_wait3A_142 = tpu.memref_slice %arg2[%dma_wait3A_140, %dma_wait3A_141] : memref<10000x64xi32, #tpu.memory_space<hbm>> -> memref<10000x64xi32, #tpu.memory_space<hbm>>
      tpu.wait_indirect_dma semaphore(%arg18 : memref<!tpu.dma_semaphore, #tpu.memory_space<semaphore_mem>>) src(%dma_wait3A_142 : memref<10000x64xi32, #tpu.memory_space<hbm>>) dst(%arg12 : memref<80x64xi32, #tpu.memory_space<vmem>>)
      %dma_wait3A_143 = arith.constant 0 : i32
      %dma_wait3A_144 = arith.constant 0 : i32
      %dma_wait3A_145 = tpu.memref_slice %arg16[%dma_wait3A_143, %dma_wait3A_144] : memref<10000x128xf32, #tpu.memory_space<vmem_shared>> -> memref<10000x128xf32, #tpu.memory_space<vmem_shared>>
      tpu.wait_indirect_dma semaphore(%arg21 : memref<!tpu.dma_semaphore, #tpu.memory_space<semaphore_mem>>) src(%arg15 : memref<80x128xf32, #tpu.memory_space<vmem>>) dst(%dma_wait3A_145 : memref<10000x128xf32, #tpu.memory_space<vmem_shared>>)
      %add3A_146 = arith.constant 1 : i32
      %add3A_147 = arith.addi %add3A_121, %add3A_146 : i32
      %min3A = arith.constant 124 : i32
      %min3A_148 = arith.minsi %add3A_147, %min3A : i32
      %scan3A_149 = arith.constant 0 : i32
      %scan3A_150 = arith.constant 0 : i32
      %scan3A_151 = arith.constant 5 : i32
      %scan3A_152 = arith.addi %scan3A_150, %scan3A_151 : i32
      %scan3A_153 = arith.constant 1 : i32
      scf.for %scan3A_161 = %scan3A_150 to %scan3A_152 step %scan3A_153  : i32 {
        %mul3A_162 = arith.constant 16 : i32
        %mul3A_163 = arith.muli %scan3A_161, %mul3A_162 : i32
        %mul3A_164 = arith.constant 80 : i32
        %mul3A_165 = arith.muli %min3A_148, %mul3A_164 : i32
        %add3A_166 = arith.addi %mul3A_165, %mul3A_163 : i32
        %get3A = arith.index_cast %add3A_166 : i32 to index
        %get3A_167 = tpu.vector_load %arg6[%get3A] {strides = array<i32>} : memref<10000xi32, #tpu.memory_space<vmem>>, vector<16xi32>,
        %and3A = arith.constant 16383 : i32
        %and3A_168 = vector.broadcast %and3A : i32 to vector<16xi32>
        %and3A_169 = arith.andi %get3A_167, %and3A_168 : vector<16xi32>
        %swap3A = arith.index_cast %mul3A_163 : i32 to index
        %swap3A_170 = tpu.vector_load %arg9[%swap3A] {strides = array<i32>} : memref<80xi32, #tpu.memory_space<vmem>>, vector<16xi32>,
        tpu.vector_store %arg9[%swap3A], %and3A_169 {strides = array<i32>} : memref<80xi32, #tpu.memory_space<vmem>>, vector<16xi32>,
        %shift_right_arithmetic3A = arith.constant 14 : i32
        %shift_right_arithmetic3A_171 = vector.broadcast %shift_right_arithmetic3A : i32 to vector<16xi32>
        %shift_right_arithmetic3A_172 = arith.shrsi %get3A_167, %shift_right_arithmetic3A_171 : vector<16xi32>
        %swap3A_173 = arith.index_cast %mul3A_163 : i32 to index
        %swap3A_174 = tpu.vector_load %arg11[%swap3A_173] {strides = array<i32>} : memref<80xi32, #tpu.memory_space<vmem>>, vector<16xi32>,
        tpu.vector_store %arg11[%swap3A_173], %shift_right_arithmetic3A_172 {strides = array<i32>} : memref<80xi32, #tpu.memory_space<vmem>>, vector<16xi32>,
      }
      %scan3A_154 = arith.constant 5 : i32
      %dma_start3A_155 = arith.constant 0 : i32
      %dma_start3A_156 = arith.constant 0 : i32
      %dma_start3A_157 = tpu.memref_slice %arg2[%dma_start3A_155, %dma_start3A_156] : memref<10000x64xi32, #tpu.memory_space<hbm>> -> memref<10000x64xi32, #tpu.memory_space<hbm>>
      tpu.enqueue_indirect_dma source(%dma_start3A_157 : memref<10000x64xi32, #tpu.memory_space<hbm>>) target(%arg13 : memref<80x64xi32, #tpu.memory_space<vmem>>) offsets(%arg9 : memref<80xi32, #tpu.memory_space<vmem>>) semaphore(%arg19 : memref<!tpu.dma_semaphore, #tpu.memory_space<semaphore_mem>>)
      %dma_start3A_158 = arith.constant 0 : i32
      %dma_start3A_159 = arith.constant 0 : i32
      %dma_start3A_160 = tpu.memref_slice %arg16[%dma_start3A_158, %dma_start3A_159] : memref<10000x128xf32, #tpu.memory_space<vmem_shared>> -> memref<10000x128xf32, #tpu.memory_space<vmem_shared>>
      tpu.enqueue_indirect_dma source(%arg14 : memref<80x128xf32, #tpu.memory_space<vmem>>) target(%dma_start3A_160 : memref<10000x128xf32, #tpu.memory_space<vmem_shared>>) offsets(%arg10 : memref<80xi32, #tpu.memory_space<vmem>>) semaphore(%arg20 : memref<!tpu.dma_semaphore, #tpu.memory_space<semaphore_mem>>) {add = true}
    }
    %scan3A_75 = arith.constant 62 : i32
    %dma_wait3A_76 = arith.constant 0 : i32
    %dma_wait3A_77 = arith.constant 0 : i32
    %dma_wait3A_78 = tpu.memref_slice %arg2[%dma_wait3A_76, %dma_wait3A_77] : memref<10000x64xi32, #tpu.memory_space<hbm>> -> memref<10000x64xi32, #tpu.memory_space<hbm>>
    tpu.wait_indirect_dma semaphore(%arg19 : memref<!tpu.dma_semaphore, #tpu.memory_space<semaphore_mem>>) src(%dma_wait3A_78 : memref<10000x64xi32, #tpu.memory_space<hbm>>) dst(%arg13 : memref<80x64xi32, #tpu.memory_space<vmem>>)
    %dma_wait3A_79 = arith.constant 0 : i32
    %dma_wait3A_80 = arith.constant 0 : i32
    %dma_wait3A_81 = tpu.memref_slice %arg16[%dma_wait3A_79, %dma_wait3A_80] : memref<10000x128xf32, #tpu.memory_space<vmem_shared>> -> memref<10000x128xf32, #tpu.memory_space<vmem_shared>>
    tpu.wait_indirect_dma semaphore(%arg20 : memref<!tpu.dma_semaphore, #tpu.memory_space<semaphore_mem>>) src(%arg14 : memref<80x128xf32, #tpu.memory_space<vmem>>) dst(%dma_wait3A_81 : memref<10000x128xf32, #tpu.memory_space<vmem_shared>>)
    %barrier3A_82 = arith.constant 0 : index
    tpu.barrier barrier_id(%barrier3A_82)
    %add3A_83 = arith.constant 0 : i32
    %add3A_84 = arith.addi %mul3A_18, %add3A_83 : i32
    %mul3A_85 = arith.constant 5 : i32
    %mul3A_86 = arith.muli %arg1, %mul3A_85 : i32
    %add3A_87 = arith.constant 0 : i32
    %add3A_88 = arith.addi %mul3A_86, %add3A_87 : i32
    "tpu.region"() ({
      %run_scoped3A = tpu.sem_alloc : memref<!tpu.dma_semaphore, #tpu.memory_space<semaphore_mem>>
      %dma_start3A_113 = arith.constant 0 : i32
      %dma_start3A_114 = arith.constant 0 : i32
      %dma_start3A_115 = tpu.memref_slice %arg5[%arg0, %add3A_88, %dma_start3A_113, %dma_start3A_114] : memref<2x80x125x128xf32, #tpu.memory_space<hbm>> -> memref<1x1x125x128xf32, #tpu.memory_space<hbm>>
      %dma_start3A_116 = tpu.memref_squeeze %dma_start3A_115 : memref<1x1x125x128xf32, #tpu.memory_space<hbm>> -> memref<125x128xf32, #tpu.memory_space<hbm>>
      %dma_start3A_117 = arith.constant 0 : i32
      %dma_start3A_118 = tpu.memref_slice %arg16[%add3A_84, %dma_start3A_117] : memref<10000x128xf32, #tpu.memory_space<vmem_shared>> -> memref<125x128xf32, #tpu.memory_space<vmem_shared>>
      tpu.enqueue_dma source(%dma_start3A_118 : memref<125x128xf32, #tpu.memory_space<vmem_shared>>) target(%dma_start3A_116 : memref<125x128xf32, #tpu.memory_space<hbm>>) target_semaphore(%run_scoped3A : memref<!tpu.dma_semaphore, #tpu.memory_space<semaphore_mem>>)
      %dma_wait3A_119 = arith.constant 0 : i32
      %dma_wait3A_120 = arith.constant 0 : i32
      %dma_wait3A_121 = tpu.memref_slice %arg5[%arg0, %add3A_88, %dma_wait3A_119, %dma_wait3A_120] : memref<2x80x125x128xf32, #tpu.memory_space<hbm>> -> memref<1x1x125x128xf32, #tpu.memory_space<hbm>>
      %dma_wait3A_122 = tpu.memref_squeeze %dma_wait3A_121 : memref<1x1x125x128xf32, #tpu.memory_space<hbm>> -> memref<125x128xf32, #tpu.memory_space<hbm>>
      %dma_wait3A_123 = arith.constant 0 : i32
      %dma_wait3A_124 = tpu.memref_slice %arg16[%add3A_84, %dma_wait3A_123] : memref<10000x128xf32, #tpu.memory_space<vmem_shared>> -> memref<125x128xf32, #tpu.memory_space<vmem_shared>>
      tpu.wait_dma2 semaphore(%run_scoped3A : memref<!tpu.dma_semaphore, #tpu.memory_space<semaphore_mem>>) src(%dma_wait3A_124 : memref<125x128xf32, #tpu.memory_space<vmem_shared>>) dst(%dma_wait3A_122 : memref<125x128xf32, #tpu.memory_space<hbm>>)
      tpu.yield
    }) : () -> ()
    %add3A_89 = arith.constant 125 : i32
    %add3A_90 = arith.addi %mul3A_18, %add3A_89 : i32
    %mul3A_91 = arith.constant 5 : i32
    %mul3A_92 = arith.muli %arg1, %mul3A_91 : i32
    %add3A_93 = arith.constant 1 : i32
    %add3A_94 = arith.addi %mul3A_92, %add3A_93 : i32
    "tpu.region"() ({
      %run_scoped3A = tpu.sem_alloc : memref<!tpu.dma_semaphore, #tpu.memory_space<semaphore_mem>>
      %dma_start3A_113 = arith.constant 0 : i32
      %dma_start3A_114 = arith.constant 0 : i32
      %dma_start3A_115 = tpu.memref_slice %arg5[%arg0, %add3A_94, %dma_start3A_113, %dma_start3A_114] : memref<2x80x125x128xf32, #tpu.memory_space<hbm>> -> memref<1x1x125x128xf32, #tpu.memory_space<hbm>>
      %dma_start3A_116 = tpu.memref_squeeze %dma_start3A_115 : memref<1x1x125x128xf32, #tpu.memory_space<hbm>> -> memref<125x128xf32, #tpu.memory_space<hbm>>
      %dma_start3A_117 = arith.constant 0 : i32
      %dma_start3A_118 = tpu.memref_slice %arg16[%add3A_90, %dma_start3A_117] : memref<10000x128xf32, #tpu.memory_space<vmem_shared>> -> memref<125x128xf32, #tpu.memory_space<vmem_shared>>
      tpu.enqueue_dma source(%dma_start3A_118 : memref<125x128xf32, #tpu.memory_space<vmem_shared>>) target(%dma_start3A_116 : memref<125x128xf32, #tpu.memory_space<hbm>>) target_semaphore(%run_scoped3A : memref<!tpu.dma_semaphore, #tpu.memory_space<semaphore_mem>>)
      %dma_wait3A_119 = arith.constant 0 : i32
      %dma_wait3A_120 = arith.constant 0 : i32
      %dma_wait3A_121 = tpu.memref_slice %arg5[%arg0, %add3A_94, %dma_wait3A_119, %dma_wait3A_120] : memref<2x80x125x128xf32, #tpu.memory_space<hbm>> -> memref<1x1x125x128xf32, #tpu.memory_space<hbm>>
      %dma_wait3A_122 = tpu.memref_squeeze %dma_wait3A_121 : memref<1x1x125x128xf32, #tpu.memory_space<hbm>> -> memref<125x128xf32, #tpu.memory_space<hbm>>
      %dma_wait3A_123 = arith.constant 0 : i32
      %dma_wait3A_124 = tpu.memref_slice %arg16[%add3A_90, %dma_wait3A_123] : memref<10000x128xf32, #tpu.memory_space<vmem_shared>> -> memref<125x128xf32, #tpu.memory_space<vmem_shared>>
      tpu.wait_dma2 semaphore(%run_scoped3A : memref<!tpu.dma_semaphore, #tpu.memory_space<semaphore_mem>>) src(%dma_wait3A_124 : memref<125x128xf32, #tpu.memory_space<vmem_shared>>) dst(%dma_wait3A_122 : memref<125x128xf32, #tpu.memory_space<hbm>>)
      tpu.yield
    }) : () -> ()
    %add3A_95 = arith.constant 250 : i32
    %add3A_96 = arith.addi %mul3A_18, %add3A_95 : i32
    %mul3A_97 = arith.constant 5 : i32
    %mul3A_98 = arith.muli %arg1, %mul3A_97 : i32
    %add3A_99 = arith.constant 2 : i32
    %add3A_100 = arith.addi %mul3A_98, %add3A_99 : i32
    "tpu.region"() ({
      %run_scoped3A = tpu.sem_alloc : memref<!tpu.dma_semaphore, #tpu.memory_space<semaphore_mem>>
      %dma_start3A_113 = arith.constant 0 : i32
      %dma_start3A_114 = arith.constant 0 : i32
      %dma_start3A_115 = tpu.memref_slice %arg5[%arg0, %add3A_100, %dma_start3A_113, %dma_start3A_114] : memref<2x80x125x128xf32, #tpu.memory_space<hbm>> -> memref<1x1x125x128xf32, #tpu.memory_space<hbm>>
      %dma_start3A_116 = tpu.memref_squeeze %dma_start3A_115 : memref<1x1x125x128xf32, #tpu.memory_space<hbm>> -> memref<125x128xf32, #tpu.memory_space<hbm>>
      %dma_start3A_117 = arith.constant 0 : i32
      %dma_start3A_118 = tpu.memref_slice %arg16[%add3A_96, %dma_start3A_117] : memref<10000x128xf32, #tpu.memory_space<vmem_shared>> -> memref<125x128xf32, #tpu.memory_space<vmem_shared>>
      tpu.enqueue_dma source(%dma_start3A_118 : memref<125x128xf32, #tpu.memory_space<vmem_shared>>) target(%dma_start3A_116 : memref<125x128xf32, #tpu.memory_space<hbm>>) target_semaphore(%run_scoped3A : memref<!tpu.dma_semaphore, #tpu.memory_space<semaphore_mem>>)
      %dma_wait3A_119 = arith.constant 0 : i32
      %dma_wait3A_120 = arith.constant 0 : i32
      %dma_wait3A_121 = tpu.memref_slice %arg5[%arg0, %add3A_100, %dma_wait3A_119, %dma_wait3A_120] : memref<2x80x125x128xf32, #tpu.memory_space<hbm>> -> memref<1x1x125x128xf32, #tpu.memory_space<hbm>>
      %dma_wait3A_122 = tpu.memref_squeeze %dma_wait3A_121 : memref<1x1x125x128xf32, #tpu.memory_space<hbm>> -> memref<125x128xf32, #tpu.memory_space<hbm>>
      %dma_wait3A_123 = arith.constant 0 : i32
      %dma_wait3A_124 = tpu.memref_slice %arg16[%add3A_96, %dma_wait3A_123] : memref<10000x128xf32, #tpu.memory_space<vmem_shared>> -> memref<125x128xf32, #tpu.memory_space<vmem_shared>>
      tpu.wait_dma2 semaphore(%run_scoped3A : memref<!tpu.dma_semaphore, #tpu.memory_space<semaphore_mem>>) src(%dma_wait3A_124 : memref<125x128xf32, #tpu.memory_space<vmem_shared>>) dst(%dma_wait3A_122 : memref<125x128xf32, #tpu.memory_space<hbm>>)
      tpu.yield
    }) : () -> ()
    %add3A_101 = arith.constant 375 : i32
    %add3A_102 = arith.addi %mul3A_18, %add3A_101 : i32
    %mul3A_103 = arith.constant 5 : i32
    %mul3A_104 = arith.muli %arg1, %mul3A_103 : i32
    %add3A_105 = arith.constant 3 : i32
    %add3A_106 = arith.addi %mul3A_104, %add3A_105 : i32
    "tpu.region"() ({
      %run_scoped3A = tpu.sem_alloc : memref<!tpu.dma_semaphore, #tpu.memory_space<semaphore_mem>>
      %dma_start3A_113 = arith.constant 0 : i32
      %dma_start3A_114 = arith.constant 0 : i32
      %dma_start3A_115 = tpu.memref_slice %arg5[%arg0, %add3A_106, %dma_start3A_113, %dma_start3A_114] : memref<2x80x125x128xf32, #tpu.memory_space<hbm>> -> memref<1x1x125x128xf32, #tpu.memory_space<hbm>>
      %dma_start3A_116 = tpu.memref_squeeze %dma_start3A_115 : memref<1x1x125x128xf32, #tpu.memory_space<hbm>> -> memref<125x128xf32, #tpu.memory_space<hbm>>
      %dma_start3A_117 = arith.constant 0 : i32
      %dma_start3A_118 = tpu.memref_slice %arg16[%add3A_102, %dma_start3A_117] : memref<10000x128xf32, #tpu.memory_space<vmem_shared>> -> memref<125x128xf32, #tpu.memory_space<vmem_shared>>
      tpu.enqueue_dma source(%dma_start3A_118 : memref<125x128xf32, #tpu.memory_space<vmem_shared>>) target(%dma_start3A_116 : memref<125x128xf32, #tpu.memory_space<hbm>>) target_semaphore(%run_scoped3A : memref<!tpu.dma_semaphore, #tpu.memory_space<semaphore_mem>>)
      %dma_wait3A_119 = arith.constant 0 : i32
      %dma_wait3A_120 = arith.constant 0 : i32
      %dma_wait3A_121 = tpu.memref_slice %arg5[%arg0, %add3A_106, %dma_wait3A_119, %dma_wait3A_120] : memref<2x80x125x128xf32, #tpu.memory_space<hbm>> -> memref<1x1x125x128xf32, #tpu.memory_space<hbm>>
      %dma_wait3A_122 = tpu.memref_squeeze %dma_wait3A_121 : memref<1x1x125x128xf32, #tpu.memory_space<hbm>> -> memref<125x128xf32, #tpu.memory_space<hbm>>
      %dma_wait3A_123 = arith.constant 0 : i32
      %dma_wait3A_124 = tpu.memref_slice %arg16[%add3A_102, %dma_wait3A_123] : memref<10000x128xf32, #tpu.memory_space<vmem_shared>> -> memref<125x128xf32, #tpu.memory_space<vmem_shared>>
      tpu.wait_dma2 semaphore(%run_scoped3A : memref<!tpu.dma_semaphore, #tpu.memory_space<semaphore_mem>>) src(%dma_wait3A_124 : memref<125x128xf32, #tpu.memory_space<vmem_shared>>) dst(%dma_wait3A_122 : memref<125x128xf32, #tpu.memory_space<hbm>>)
      tpu.yield
    }) : () -> ()
    %add3A_107 = arith.constant 500 : i32
    %add3A_108 = arith.addi %mul3A_18, %add3A_107 : i32
    %mul3A_109 = arith.constant 5 : i32
    %mul3A_110 = arith.muli %arg1, %mul3A_109 : i32
    %add3A_111 = arith.constant 4 : i32
    %add3A_112 = arith.addi %mul3A_110, %add3A_111 : i32
    "tpu.region"() ({
      %run_scoped3A = tpu.sem_alloc : memref<!tpu.dma_semaphore, #tpu.memory_space<semaphore_mem>>
      %dma_start3A_113 = arith.constant 0 : i32
      %dma_start3A_114 = arith.constant 0 : i32
      %dma_start3A_115 = tpu.memref_slice %arg5[%arg0, %add3A_112, %dma_start3A_113, %dma_start3A_114] : memref<2x80x125x128xf32, #tpu.memory_space<hbm>> -> memref<1x1x125x128xf32, #tpu.memory_space<hbm>>
      %dma_start3A_116 = tpu.memref_squeeze %dma_start3A_115 : memref<1x1x125x128xf32, #tpu.memory_space<hbm>> -> memref<125x128xf32, #tpu.memory_space<hbm>>
      %dma_start3A_117 = arith.constant 0 : i32
      %dma_start3A_118 = tpu.memref_slice %arg16[%add3A_108, %dma_start3A_117] : memref<10000x128xf32, #tpu.memory_space<vmem_shared>> -> memref<125x128xf32, #tpu.memory_space<vmem_shared>>
      tpu.enqueue_dma source(%dma_start3A_118 : memref<125x128xf32, #tpu.memory_space<vmem_shared>>) target(%dma_start3A_116 : memref<125x128xf32, #tpu.memory_space<hbm>>) target_semaphore(%run_scoped3A : memref<!tpu.dma_semaphore, #tpu.memory_space<semaphore_mem>>)
      %dma_wait3A_119 = arith.constant 0 : i32
      %dma_wait3A_120 = arith.constant 0 : i32
      %dma_wait3A_121 = tpu.memref_slice %arg5[%arg0, %add3A_112, %dma_wait3A_119, %dma_wait3A_120] : memref<2x80x125x128xf32, #tpu.memory_space<hbm>> -> memref<1x1x125x128xf32, #tpu.memory_space<hbm>>
      %dma_wait3A_122 = tpu.memref_squeeze %dma_wait3A_121 : memref<1x1x125x128xf32, #tpu.memory_space<hbm>> -> memref<125x128xf32, #tpu.memory_space<hbm>>
      %dma_wait3A_123 = arith.constant 0 : i32
      %dma_wait3A_124 = tpu.memref_slice %arg16[%add3A_108, %dma_wait3A_123] : memref<10000x128xf32, #tpu.memory_space<vmem_shared>> -> memref<125x128xf32, #tpu.memory_space<vmem_shared>>
      tpu.wait_dma2 semaphore(%run_scoped3A : memref<!tpu.dma_semaphore, #tpu.memory_space<semaphore_mem>>) src(%dma_wait3A_124 : memref<125x128xf32, #tpu.memory_space<vmem_shared>>) dst(%dma_wait3A_122 : memref<125x128xf32, #tpu.memory_space<hbm>>)
      tpu.yield
    }) : () -> ()
    return
  }
}

module attributes {stable_mosaic.version = 14 : i64} {
  func.func @_cv_body(%arg0: memref<2500x128xf32, #tpu.memory_space<vmem>>, %arg1: memref<2500x128xi32, #tpu.memory_space<vmem>>, %arg2: memref<2500x128xi32, #tpu.memory_space<vmem>>, %arg3: memref<1x10xf32, #tpu.memory_space<smem>>, %arg4: memref<1x1xf32, #tpu.memory_space<smem>>, %arg5: memref<2500x128xf32, #tpu.memory_space<vmem>>, %arg6: memref<2500x128xi32, #tpu.memory_space<vmem>>) attributes {dimension_semantics = [], scalar_prefetch = 0 : i64, scratch_operands = 0 : i64, tpu.core_type = #tpu.core_type<tc>} {
    %get3A = arith.constant 0 : index
    %get3A_0 = arith.constant 0 : index
    %get3A_1 = vector.load %arg0[%get3A, %get3A_0] : memref<2500x128xf32, #tpu.memory_space<vmem>>, vector<2500x128xf32>
    %neg3A = arith.constant 0.000000e+00 : f32
    %neg3A_2 = vector.broadcast %neg3A : f32 to vector<2500x128xf32>
    %neg3A_3 = arith.subf %neg3A_2, %get3A_1 : vector<2500x128xf32>
    %exp3A = math.exp %neg3A_3 : vector<2500x128xf32>
    %get3A_4 = arith.constant 0 : index
    %get3A_5 = arith.constant 0 : index
    %get3A_6 = memref.load %arg4[%get3A_4, %get3A_5] : memref<1x1xf32, #tpu.memory_space<smem>>
    %get3A_7 = arith.constant 0 : index
    %get3A_8 = arith.constant 0 : index
    %get3A_9 = memref.load %arg3[%get3A_7, %get3A_8] : memref<1x10xf32, #tpu.memory_space<smem>>
    %mul3A = arith.constant 5.000000e-01 : f32
    %mul3A_10 = arith.mulf %mul3A, %get3A_9 : f32
    %add3A = arith.addf %get3A_6, %mul3A_10 : f32
    %get3A_11 = arith.constant 0 : index
    %get3A_12 = arith.constant 1 : index
    %get3A_13 = memref.load %arg3[%get3A_11, %get3A_12] : memref<1x10xf32, #tpu.memory_space<smem>>
    %mul3A_14 = arith.constant 5.000000e-01 : f32
    %mul3A_15 = arith.mulf %mul3A_14, %get3A_13 : f32
    %add3A_16 = arith.addf %add3A, %mul3A_15 : f32
    %get3A_17 = arith.constant 0 : index
    %get3A_18 = arith.constant 2 : index
    %get3A_19 = memref.load %arg3[%get3A_17, %get3A_18] : memref<1x10xf32, #tpu.memory_space<smem>>
    %mul3A_20 = arith.constant 5.000000e-01 : f32
    %mul3A_21 = arith.mulf %mul3A_20, %get3A_19 : f32
    %add3A_22 = arith.addf %add3A_16, %mul3A_21 : f32
    %get3A_23 = arith.constant 0 : index
    %get3A_24 = arith.constant 3 : index
    %get3A_25 = memref.load %arg3[%get3A_23, %get3A_24] : memref<1x10xf32, #tpu.memory_space<smem>>
    %mul3A_26 = arith.constant 5.000000e-01 : f32
    %mul3A_27 = arith.mulf %mul3A_26, %get3A_25 : f32
    %add3A_28 = arith.addf %add3A_22, %mul3A_27 : f32
    %get3A_29 = arith.constant 0 : index
    %get3A_30 = arith.constant 4 : index
    %get3A_31 = memref.load %arg3[%get3A_29, %get3A_30] : memref<1x10xf32, #tpu.memory_space<smem>>
    %mul3A_32 = arith.constant 5.000000e-01 : f32
    %mul3A_33 = arith.mulf %mul3A_32, %get3A_31 : f32
    %add3A_34 = arith.addf %add3A_28, %mul3A_33 : f32
    %get3A_35 = arith.constant 0 : index
    %get3A_36 = arith.constant 5 : index
    %get3A_37 = memref.load %arg3[%get3A_35, %get3A_36] : memref<1x10xf32, #tpu.memory_space<smem>>
    %mul3A_38 = arith.constant 5.000000e-01 : f32
    %mul3A_39 = arith.mulf %mul3A_38, %get3A_37 : f32
    %add3A_40 = arith.addf %add3A_34, %mul3A_39 : f32
    %get3A_41 = arith.constant 0 : index
    %get3A_42 = arith.constant 6 : index
    %get3A_43 = memref.load %arg3[%get3A_41, %get3A_42] : memref<1x10xf32, #tpu.memory_space<smem>>
    %mul3A_44 = arith.constant 5.000000e-01 : f32
    %mul3A_45 = arith.mulf %mul3A_44, %get3A_43 : f32
    %add3A_46 = arith.addf %add3A_40, %mul3A_45 : f32
    %get3A_47 = arith.constant 0 : index
    %get3A_48 = arith.constant 7 : index
    %get3A_49 = memref.load %arg3[%get3A_47, %get3A_48] : memref<1x10xf32, #tpu.memory_space<smem>>
    %mul3A_50 = arith.constant 5.000000e-01 : f32
    %mul3A_51 = arith.mulf %mul3A_50, %get3A_49 : f32
    %add3A_52 = arith.addf %add3A_46, %mul3A_51 : f32
    %get3A_53 = arith.constant 0 : index
    %get3A_54 = arith.constant 8 : index
    %get3A_55 = memref.load %arg3[%get3A_53, %get3A_54] : memref<1x10xf32, #tpu.memory_space<smem>>
    %mul3A_56 = arith.constant 5.000000e-01 : f32
    %mul3A_57 = arith.mulf %mul3A_56, %get3A_55 : f32
    %add3A_58 = arith.addf %add3A_52, %mul3A_57 : f32
    %get3A_59 = arith.constant 0 : index
    %get3A_60 = arith.constant 9 : index
    %get3A_61 = memref.load %arg3[%get3A_59, %get3A_60] : memref<1x10xf32, #tpu.memory_space<smem>>
    %mul3A_62 = arith.constant 5.000000e-01 : f32
    %mul3A_63 = arith.mulf %mul3A_62, %get3A_61 : f32
    %add3A_64 = arith.addf %add3A_58, %mul3A_63 : f32
    %broadcast_in_dim3A = arith.constant 0.000000e+00 : f32
    %broadcast_in_dim3A_65 = vector.broadcast %broadcast_in_dim3A : f32 to vector<2500x128xf32>
    %get3A_66 = arith.constant 0 : index
    %get3A_67 = arith.constant 0 : index
    %get3A_68 = memref.load %arg3[%get3A_66, %get3A_67] : memref<1x10xf32, #tpu.memory_space<smem>>
    %mul3A_69 = arith.constant 5.000000e-01 : f32
    %mul3A_70 = arith.mulf %mul3A_69, %get3A_68 : f32
    %mul3A_71 = vector.broadcast %mul3A_70 : f32 to vector<2500x128xf32>
    %mul3A_72 = arith.mulf %mul3A_71, %exp3A : vector<2500x128xf32>
    %add3A_73 = arith.addf %broadcast_in_dim3A_65, %mul3A_72 : vector<2500x128xf32>
    %mul3A_74 = arith.mulf %exp3A, %exp3A : vector<2500x128xf32>
    %get3A_75 = arith.constant 0 : index
    %get3A_76 = arith.constant 1 : index
    %get3A_77 = memref.load %arg3[%get3A_75, %get3A_76] : memref<1x10xf32, #tpu.memory_space<smem>>
    %mul3A_78 = arith.constant 5.000000e-01 : f32
    %mul3A_79 = arith.mulf %mul3A_78, %get3A_77 : f32
    %mul3A_80 = vector.broadcast %mul3A_79 : f32 to vector<2500x128xf32>
    %mul3A_81 = arith.mulf %mul3A_80, %mul3A_74 : vector<2500x128xf32>
    %add3A_82 = arith.addf %add3A_73, %mul3A_81 : vector<2500x128xf32>
    %mul3A_83 = arith.mulf %mul3A_74, %exp3A : vector<2500x128xf32>
    %get3A_84 = arith.constant 0 : index
    %get3A_85 = arith.constant 2 : index
    %get3A_86 = memref.load %arg3[%get3A_84, %get3A_85] : memref<1x10xf32, #tpu.memory_space<smem>>
    %mul3A_87 = arith.constant 5.000000e-01 : f32
    %mul3A_88 = arith.mulf %mul3A_87, %get3A_86 : f32
    %mul3A_89 = vector.broadcast %mul3A_88 : f32 to vector<2500x128xf32>
    %mul3A_90 = arith.mulf %mul3A_89, %mul3A_83 : vector<2500x128xf32>
    %add3A_91 = arith.addf %add3A_82, %mul3A_90 : vector<2500x128xf32>
    %mul3A_92 = arith.mulf %mul3A_83, %exp3A : vector<2500x128xf32>
    %get3A_93 = arith.constant 0 : index
    %get3A_94 = arith.constant 3 : index
    %get3A_95 = memref.load %arg3[%get3A_93, %get3A_94] : memref<1x10xf32, #tpu.memory_space<smem>>
    %mul3A_96 = arith.constant 5.000000e-01 : f32
    %mul3A_97 = arith.mulf %mul3A_96, %get3A_95 : f32
    %mul3A_98 = vector.broadcast %mul3A_97 : f32 to vector<2500x128xf32>
    %mul3A_99 = arith.mulf %mul3A_98, %mul3A_92 : vector<2500x128xf32>
    %add3A_100 = arith.addf %add3A_91, %mul3A_99 : vector<2500x128xf32>
    %mul3A_101 = arith.mulf %mul3A_92, %exp3A : vector<2500x128xf32>
    %get3A_102 = arith.constant 0 : index
    %get3A_103 = arith.constant 4 : index
    %get3A_104 = memref.load %arg3[%get3A_102, %get3A_103] : memref<1x10xf32, #tpu.memory_space<smem>>
    %mul3A_105 = arith.constant 5.000000e-01 : f32
    %mul3A_106 = arith.mulf %mul3A_105, %get3A_104 : f32
    %mul3A_107 = vector.broadcast %mul3A_106 : f32 to vector<2500x128xf32>
    %mul3A_108 = arith.mulf %mul3A_107, %mul3A_101 : vector<2500x128xf32>
    %add3A_109 = arith.addf %add3A_100, %mul3A_108 : vector<2500x128xf32>
    %mul3A_110 = arith.mulf %mul3A_101, %exp3A : vector<2500x128xf32>
    %get3A_111 = arith.constant 0 : index
    %get3A_112 = arith.constant 5 : index
    %get3A_113 = memref.load %arg3[%get3A_111, %get3A_112] : memref<1x10xf32, #tpu.memory_space<smem>>
    %mul3A_114 = arith.constant 5.000000e-01 : f32
    %mul3A_115 = arith.mulf %mul3A_114, %get3A_113 : f32
    %mul3A_116 = vector.broadcast %mul3A_115 : f32 to vector<2500x128xf32>
    %mul3A_117 = arith.mulf %mul3A_116, %mul3A_110 : vector<2500x128xf32>
    %add3A_118 = arith.addf %add3A_109, %mul3A_117 : vector<2500x128xf32>
    %mul3A_119 = arith.mulf %mul3A_110, %exp3A : vector<2500x128xf32>
    %get3A_120 = arith.constant 0 : index
    %get3A_121 = arith.constant 6 : index
    %get3A_122 = memref.load %arg3[%get3A_120, %get3A_121] : memref<1x10xf32, #tpu.memory_space<smem>>
    %mul3A_123 = arith.constant 5.000000e-01 : f32
    %mul3A_124 = arith.mulf %mul3A_123, %get3A_122 : f32
    %mul3A_125 = vector.broadcast %mul3A_124 : f32 to vector<2500x128xf32>
    %mul3A_126 = arith.mulf %mul3A_125, %mul3A_119 : vector<2500x128xf32>
    %add3A_127 = arith.addf %add3A_118, %mul3A_126 : vector<2500x128xf32>
    %mul3A_128 = arith.mulf %mul3A_119, %exp3A : vector<2500x128xf32>
    %get3A_129 = arith.constant 0 : index
    %get3A_130 = arith.constant 7 : index
    %get3A_131 = memref.load %arg3[%get3A_129, %get3A_130] : memref<1x10xf32, #tpu.memory_space<smem>>
    %mul3A_132 = arith.constant 5.000000e-01 : f32
    %mul3A_133 = arith.mulf %mul3A_132, %get3A_131 : f32
    %mul3A_134 = vector.broadcast %mul3A_133 : f32 to vector<2500x128xf32>
    %mul3A_135 = arith.mulf %mul3A_134, %mul3A_128 : vector<2500x128xf32>
    %add3A_136 = arith.addf %add3A_127, %mul3A_135 : vector<2500x128xf32>
    %mul3A_137 = arith.mulf %mul3A_128, %exp3A : vector<2500x128xf32>
    %get3A_138 = arith.constant 0 : index
    %get3A_139 = arith.constant 8 : index
    %get3A_140 = memref.load %arg3[%get3A_138, %get3A_139] : memref<1x10xf32, #tpu.memory_space<smem>>
    %mul3A_141 = arith.constant 5.000000e-01 : f32
    %mul3A_142 = arith.mulf %mul3A_141, %get3A_140 : f32
    %mul3A_143 = vector.broadcast %mul3A_142 : f32 to vector<2500x128xf32>
    %mul3A_144 = arith.mulf %mul3A_143, %mul3A_137 : vector<2500x128xf32>
    %add3A_145 = arith.addf %add3A_136, %mul3A_144 : vector<2500x128xf32>
    %mul3A_146 = arith.mulf %mul3A_137, %exp3A : vector<2500x128xf32>
    %get3A_147 = arith.constant 0 : index
    %get3A_148 = arith.constant 9 : index
    %get3A_149 = memref.load %arg3[%get3A_147, %get3A_148] : memref<1x10xf32, #tpu.memory_space<smem>>
    %mul3A_150 = arith.constant 5.000000e-01 : f32
    %mul3A_151 = arith.mulf %mul3A_150, %get3A_149 : f32
    %mul3A_152 = vector.broadcast %mul3A_151 : f32 to vector<2500x128xf32>
    %mul3A_153 = arith.mulf %mul3A_152, %mul3A_146 : vector<2500x128xf32>
    %add3A_154 = arith.addf %add3A_145, %mul3A_153 : vector<2500x128xf32>
    %add3A_155 = vector.broadcast %add3A_64 : f32 to vector<2500x128xf32>
    %add3A_156 = arith.addf %add3A_154, %add3A_155 : vector<2500x128xf32>
    %swap3A = arith.constant 0 : index
    %swap3A_157 = arith.constant 0 : index
    %swap3A_158 = vector.load %arg5[%swap3A, %swap3A_157] : memref<2500x128xf32, #tpu.memory_space<vmem>>, vector<2500x128xf32>
    tpu.vector_store %arg5[%swap3A, %swap3A_157], %add3A_156 {strides = array<i32>} : memref<2500x128xf32, #tpu.memory_space<vmem>>, vector<2500x128xf32>,
    %get3A_159 = arith.constant 0 : index
    %get3A_160 = arith.constant 0 : index
    %get3A_161 = vector.load %arg1[%get3A_159, %get3A_160] : memref<2500x128xi32, #tpu.memory_space<vmem>>, vector<2500x128xi32>
    %get3A_162 = arith.constant 0 : index
    %get3A_163 = arith.constant 0 : index
    %get3A_164 = vector.load %arg2[%get3A_162, %get3A_163] : memref<2500x128xi32, #tpu.memory_space<vmem>>, vector<2500x128xi32>
    %shift_left3A = arith.constant 14 : i32
    %shift_left3A_165 = vector.broadcast %shift_left3A : i32 to vector<2500x128xi32>
    %shift_left3A_166 = arith.shli %get3A_164, %shift_left3A_165 : vector<2500x128xi32>
    %or3A = arith.ori %get3A_161, %shift_left3A_166 : vector<2500x128xi32>
    %swap3A_167 = arith.constant 0 : index
    %swap3A_168 = arith.constant 0 : index
    %swap3A_169 = vector.load %arg6[%swap3A_167, %swap3A_168] : memref<2500x128xi32, #tpu.memory_space<vmem>>, vector<2500x128xi32>
    tpu.vector_store %arg6[%swap3A_167, %swap3A_168], %or3A {strides = array<i32>} : memref<2500x128xi32, #tpu.memory_space<vmem>>, vector<2500x128xi32>,
    return
  }
}

module attributes {stable_mosaic.version = 14 : i64} {
  func.func @_h_body(%arg0: i32, %arg1: memref<1000x128xf32, #tpu.memory_space<vmem>>, %arg2: memref<128x128xf32, #tpu.memory_space<vmem>>, %arg3: memref<1x128xf32, #tpu.memory_space<vmem>>, %arg4: memref<1000x64xi32, #tpu.memory_space<vmem>>) attributes {dimension_semantics = [#tpu.dimension_semantics<arbitrary>], iteration_bounds = array<i64: 10>, scalar_prefetch = 0 : i64, scratch_operands = 0 : i64, tpu.core_type = #tpu.core_type<tc>, window_params = [{transform_indices = @transform_0, window_bounds = array<i64: 1000, 128>}, {pipeline_mode = #tpu.pipeline_mode<synchronous>, transform_indices = @transform_1, window_bounds = array<i64: 128, 128>}, {pipeline_mode = #tpu.pipeline_mode<synchronous>, transform_indices = @transform_2, window_bounds = array<i64: 1, 128>}, {transform_indices = @transform_3, window_bounds = array<i64: 1000, 64>}]} {
    %get3A = arith.constant 0 : index
    %get3A_0 = arith.constant 0 : index
    %get3A_1 = vector.load %arg1[%get3A, %get3A_0] : memref<1000x128xf32, #tpu.memory_space<vmem>>, vector<1000x128xf32>
    %get3A_2 = arith.constant 0 : index
    %get3A_3 = arith.constant 0 : index
    %get3A_4 = vector.load %arg2[%get3A_2, %get3A_3] : memref<128x128xf32, #tpu.memory_space<vmem>>, vector<128x128xf32>
    %dot_general3A = arith.constant dense<0.000000e+00> : vector<1000x128xf32>
    %dot_general3A_5 = tpu.matmul %get3A_1, %get3A_4, %dot_general3A {dimension_numbers = #tpu.dot_dimension_numbers<[1], [1], [0], [0], [0, 0, 1, 0], [], []>, transpose_lhs_hint = false} : vector<1000x128xf32>, vector<128x128xf32>, vector<1000x128xf32> -> vector<1000x128xf32>
    %get3A_6 = arith.constant 0 : index
    %get3A_7 = arith.constant 0 : index
    %get3A_8 = vector.load %arg3[%get3A_6, %get3A_7] : memref<1x128xf32, #tpu.memory_space<vmem>>, vector<1x128xf32>
    %add3A = vector.broadcast %get3A_8 : vector<1x128xf32> to vector<1000x128xf32>
    %add3A_9 = arith.addf %dot_general3A_5, %add3A : vector<1000x128xf32>
    %slice3A = vector.extract_strided_slice %add3A_9 {offsets = [0, 0], sizes = [1000, 64], strides = [1, 1]} : vector<1000x128xf32> to vector<1000x64xf32>
    %bitcast_convert_type3A = tpu.bitcast %slice3A : vector<1000x64xf32> -> vector<1000x64xi32>
    %slice3A_10 = vector.extract_strided_slice %add3A_9 {offsets = [0, 64], sizes = [1000, 64], strides = [1, 1]} : vector<1000x128xf32> to vector<1000x64xf32>
    %bitcast_convert_type3A_11 = tpu.bitcast %slice3A_10 : vector<1000x64xf32> -> vector<1000x64xi32>
    %add3A_12 = arith.constant 32767 : i32
    %add3A_13 = vector.broadcast %add3A_12 : i32 to vector<1000x64xi32>
    %add3A_14 = arith.addi %bitcast_convert_type3A, %add3A_13 : vector<1000x64xi32>
    %shift_right_logical3A = arith.constant 16 : i32
    %shift_right_logical3A_15 = vector.broadcast %shift_right_logical3A : i32 to vector<1000x64xi32>
    %shift_right_logical3A_16 = arith.shrui %bitcast_convert_type3A, %shift_right_logical3A_15 : vector<1000x64xi32>
    %and3A = arith.constant 1 : i32
    %and3A_17 = vector.broadcast %and3A : i32 to vector<1000x64xi32>
    %and3A_18 = arith.andi %shift_right_logical3A_16, %and3A_17 : vector<1000x64xi32>
    %add3A_19 = arith.addi %add3A_14, %and3A_18 : vector<1000x64xi32>
    %shift_right_logical3A_20 = arith.constant 16 : i32
    %shift_right_logical3A_21 = vector.broadcast %shift_right_logical3A_20 : i32 to vector<1000x64xi32>
    %shift_right_logical3A_22 = arith.shrui %add3A_19, %shift_right_logical3A_21 : vector<1000x64xi32>
    %and3A_23 = arith.constant 65535 : i32
    %and3A_24 = vector.broadcast %and3A_23 : i32 to vector<1000x64xi32>
    %and3A_25 = arith.andi %shift_right_logical3A_22, %and3A_24 : vector<1000x64xi32>
    %add3A_26 = arith.constant 32767 : i32
    %add3A_27 = vector.broadcast %add3A_26 : i32 to vector<1000x64xi32>
    %add3A_28 = arith.addi %bitcast_convert_type3A_11, %add3A_27 : vector<1000x64xi32>
    %shift_right_logical3A_29 = arith.constant 16 : i32
    %shift_right_logical3A_30 = vector.broadcast %shift_right_logical3A_29 : i32 to vector<1000x64xi32>
    %shift_right_logical3A_31 = arith.shrui %bitcast_convert_type3A_11, %shift_right_logical3A_30 : vector<1000x64xi32>
    %and3A_32 = arith.constant 1 : i32
    %and3A_33 = vector.broadcast %and3A_32 : i32 to vector<1000x64xi32>
    %and3A_34 = arith.andi %shift_right_logical3A_31, %and3A_33 : vector<1000x64xi32>
    %add3A_35 = arith.addi %add3A_28, %and3A_34 : vector<1000x64xi32>
    %shift_right_logical3A_36 = arith.constant 16 : i32
    %shift_right_logical3A_37 = vector.broadcast %shift_right_logical3A_36 : i32 to vector<1000x64xi32>
    %shift_right_logical3A_38 = arith.shrui %add3A_35, %shift_right_logical3A_37 : vector<1000x64xi32>
    %shift_left3A = arith.constant 16 : i32
    %shift_left3A_39 = vector.broadcast %shift_left3A : i32 to vector<1000x64xi32>
    %shift_left3A_40 = arith.shli %shift_right_logical3A_38, %shift_left3A_39 : vector<1000x64xi32>
    %or3A = arith.ori %and3A_25, %shift_left3A_40 : vector<1000x64xi32>
    %swap3A = arith.constant 0 : index
    %swap3A_41 = arith.constant 0 : index
    %swap3A_42 = vector.load %arg4[%swap3A, %swap3A_41] : memref<1000x64xi32, #tpu.memory_space<vmem>>, vector<1000x64xi32>
    tpu.vector_store %arg4[%swap3A, %swap3A_41], %or3A {strides = array<i32>} : memref<1000x64xi32, #tpu.memory_space<vmem>>, vector<1000x64xi32>,
    return
  }
  func.func @transform_0(%arg0: i32) -> (i32, i32) {
    %c0_i32 = arith.constant 0 : i32
    %c0_i32_0 = arith.constant 0 : i32
    return %arg0, %c0_i32 : i32, i32
  }
  func.func @transform_1(%arg0: i32) -> (i32, i32) {
    %c0_i32 = arith.constant 0 : i32
    %c0_i32_0 = arith.constant 0 : i32
    %c0_i32_1 = arith.constant 0 : i32
    return %c0_i32, %c0_i32_0 : i32, i32
  }
  func.func @transform_2(%arg0: i32) -> (i32, i32) {
    %c0_i32 = arith.constant 0 : i32
    %c0_i32_0 = arith.constant 0 : i32
    %c0_i32_1 = arith.constant 0 : i32
    return %c0_i32, %c0_i32_0 : i32, i32
  }
  func.func @transform_3(%arg0: i32) -> (i32, i32) {
    %c0_i32 = arith.constant 0 : i32
    %c0_i32_0 = arith.constant 0 : i32
    return %arg0, %c0_i32 : i32, i32
  }
}

module attributes {stable_mosaic.version = 14 : i64} {
  func.func @_combine_body(%arg0: i32, %arg1: memref<2x1000x128xf32, #tpu.memory_space<vmem>>, %arg2: memref<1000x128xf32, #tpu.memory_space<vmem>>) attributes {dimension_semantics = [#tpu.dimension_semantics<arbitrary>], iteration_bounds = array<i64: 10>, scalar_prefetch = 0 : i64, scratch_operands = 0 : i64, tpu.core_type = #tpu.core_type<tc>, window_params = [{transform_indices = @transform_0, window_bounds = array<i64: 2, 1000, 128>}, {transform_indices = @transform_1, window_bounds = array<i64: 1000, 128>}]} {
    %get3A = arith.constant 0 : index
    %get3A_0 = arith.constant 0 : index
    %get3A_1 = arith.constant 0 : index
    %get3A_2 = vector.load %arg1[%get3A, %get3A_0, %get3A_1] : memref<2x1000x128xf32, #tpu.memory_space<vmem>>, vector<1x1000x128xf32>
    %get3A_3 = vector.shape_cast %get3A_2 : vector<1x1000x128xf32> to vector<1000x128xf32>
    %get3A_4 = arith.constant 1 : index
    %get3A_5 = arith.constant 0 : index
    %get3A_6 = arith.constant 0 : index
    %get3A_7 = vector.load %arg1[%get3A_4, %get3A_5, %get3A_6] : memref<2x1000x128xf32, #tpu.memory_space<vmem>>, vector<1x1000x128xf32>
    %get3A_8 = vector.shape_cast %get3A_7 : vector<1x1000x128xf32> to vector<1000x128xf32>
    %add3A = arith.addf %get3A_3, %get3A_8 : vector<1000x128xf32>
    %max3A = arith.constant 0.000000e+00 : f32
    %max3A_9 = vector.broadcast %max3A : f32 to vector<1000x128xf32>
    %max3A_10 = arith.maximumf %add3A, %max3A_9 : vector<1000x128xf32>
    %swap3A = arith.constant 0 : index
    %swap3A_11 = arith.constant 0 : index
    %swap3A_12 = vector.load %arg2[%swap3A, %swap3A_11] : memref<1000x128xf32, #tpu.memory_space<vmem>>, vector<1000x128xf32>
    tpu.vector_store %arg2[%swap3A, %swap3A_11], %max3A_10 {strides = array<i32>} : memref<1000x128xf32, #tpu.memory_space<vmem>>, vector<1000x128xf32>,
    return
  }
  func.func @transform_0(%arg0: i32) -> (i32, i32, i32) {
    %c0_i32 = arith.constant 0 : i32
    %c0_i32_0 = arith.constant 0 : i32
    %c0_i32_1 = arith.constant 0 : i32
    return %c0_i32, %arg0, %c0_i32_0 : i32, i32, i32
  }
  func.func @transform_1(%arg0: i32) -> (i32, i32) {
    %c0_i32 = arith.constant 0 : i32
    %c0_i32_0 = arith.constant 0 : i32
    return %arg0, %c0_i32 : i32, i32
  }
}

</mosaic_0001>

<sc_bundles>
// kernel: kernel.6.cloned.1.call-start
scs
__scs_entry_jumppad:
0x0: {  	(pc) =	sbr.rel $0x88, $3  }
0x1: {  	(tag) =	ssettag $0x0;
	lr =	simm.s32 $0x1  }
0x2: {  	[smem:$0x3F9A] =	sst lr;
	_ =	strace $0xD0000000  }
0x3: {  	_ = 	snop  }
0x4: {  	_ = 	snop  }
0x5: {  	_ = 	snop  }
0x6: {  	_ = 	snop  }
0x7: {  	_ = 	snop  }
__scs_overlays_trampoline_lowered:
0x8: {  	[smem:$0x3FA9] =	sst s0  }
0x9: {  	[smem:$0x3FAA] =	sst s1  }
0xa: {  	[smem:$0x3FAB] =	sst s2  }
0xb: {  	[smem:$0x3FAC] =	sst s3  }
0xc: {  	[smem:$0x3FAD] =	sst s4  }
0xd: {  	[smem:$0x3FAE] =	sst s5  }
0xe: {  	[smem:$0x3FAF] =	sst s6  }
0xf: {  	[smem:$0x3FB0] =	sst s7  }
0x10: {  	[smem:$0x3FB1] =	sst s8  }
0x11: {  	[smem:$0x3FB2] =	sst s9;
	s0 =	simm.s32 @!p0 $0x0  }
0x12: {  	s1 =	sld [smem:$0x3F98];
	s0 =	simm.s32 @p0 $0x1  }
0x13: {  	[smem:$0x3FB3] =	sst s0;
	s0 =	simm.s32 @!p1 $0x0  }
0x14: {  	s2 =	sld [smem:$0x3F97];
	s0 =	simm.s32 @p1 $0x1  }
0x15: {  	[smem:$0x3FB4] =	sst s0;
	s0 =	simm.s32 @!p2 $0x0  }
0x16: {  	s3 =	sld [smem:$0x3FDB];
	s0 =	simm.s32 @p2 $0x1  }
0x17: {  	s4 =	simm.s32 $0x1BF5;
	[smem:$0x3FB6] =	sst s0  }
0x18: {  	s0 =	sld [smem:$0x3F99];
	_ =	swait.ge [sflag:s4], $0x0  }
0x19: {  	s7 =	sld [smem:$0x3F9A]  }
0x1a: {  	s8 =	sadd.s32 $0xFFFFE003, lr  }
0x1b: {  	s9 =	sadd.s32 $0xFFFFFEF7, lr;
	s5 =	simm.s32 $0xFFFFFFFF;
	p2 =	slt.u32 s8, $0xFFFFF086  }
0x1c: {  	p1 =	slt.u32 s9, $0xF7A;
	s5 =	simm.s32 @!p2 $0x0  }
0x1d: {  	s5 =	simm.s32 @p1 $0x1;
	p0 =	seq.s32 s7, s2  }
0x1e: {  	s7 =	smul.u32 @!p0 $0xF7A, s2;
	p2 =	seq.s32 @!p0 s5, $0x0  }
0x1f: {  	s9 =	smul.u32 $0xF7A, s1;
	s8 =	simm.s32 @!p0 $0x1BF5;
	p2 =	por !p2, p0  }
0x20: {  	[sflag:s8] =	ssyncset.s32 @!p0 $0xFFFFF086;
	s6 =	sadd.s32 @!p0 s3, s7;
	s7 =	simm.s32 @!p0 $0x108  }
0x21: {  	s3 =	sadd.s32 s3, s9;
	s6 =	sadd.s32 @!p0 $0x88, s6;
	s7 =	simm.s32 @p2 $0x1082  }
0x22: {  	[simem:s7], [sflag:s8] =	dma.local @!p0 [hbm:s6], $0xF7A  }
0x23: {  	s9 =	sor.u32 $0xD0000000, s2;
	s6 =	simm.s32 $0x108;
	_ =	swait.ge @!p0 [sflag:s8], $0x0  }
0x24: {  	s3 =	sadd.s32 $0x88, s3;
	s6 =	simm.s32 @!p1 $0x1082;
	[sflag:s4] =	ssyncset.s32 $0xFFFFF086  }
0x25: {  	[simem:s6], [sflag:s4] =	dma.local [hbm:s3], $0xF7A  }
0x26: {  	[smem:$0x3F9A] =	sst s1;
	(tag) =	ssettag s2;
	_ =	strace s9  }
0x27: {  	s1 =	sld [smem:$0x3FAA]  }
0x28: {  	s2 =	sld [smem:$0x3FAB]  }
0x29: {  	s4 =	sld [smem:$0x3FAD]  }
0x2a: {  	p0 =	seq.s32 s5, $0x0;
	s5 =	sld [smem:$0x3FAE]  }
0x2b: {  	s6 =	sld [smem:$0x3FAF]  }
0x2c: {  	s7 =	sld [smem:$0x3FB0]  }
0x2d: {  	s3 =	simm.s32 $0x108;
	s8 =	sld [smem:$0x3FB1]  }
0x2e: {  	s3 =	simm.s32 @!p0 $0x1082;
	s9 =	sld [smem:$0x3FB2]  }
0x2f: {  	lr =	sadd.s32 s0, s3;
	s0 =	sld [smem:$0x3FA9]  }
0x30: {  	s3 =	sld [smem:$0x3FAC]  }
0x31: {  	[smem:$0x3FB5] =	sst s10  }
0x32: {  	s10 =	sld [smem:$0x3FB3];
	_ =	sdelay $0x3  }
0x33: {  	p0 =	seq.s32 s10, $0x1;
	s10 =	sld [smem:$0x3FB5];
	_ =	sdelay $0x3  }
0x34: {  	[smem:$0x3FB5] =	sst s10  }
0x35: {  	s10 =	sld [smem:$0x3FB4];
	_ =	sdelay $0x3  }
0x36: {  	p1 =	seq.s32 s10, $0x1;
	s10 =	sld [smem:$0x3FB5];
	_ =	sdelay $0x3  }
0x37: {  	[smem:$0x3FB5] =	sst s10  }
0x38: {  	s10 =	sld [smem:$0x3FB6]  }
0x39: {  	_ = 	snop;
	(pc) =	sbr.ind lr, $3  }
0x3a: {  	_ = 	snop  }
0x3b: {  	_ = 	snop  }
0x3c: {  	p2 =	seq.s32 s10, $0x1;
	s10 =	sld [smem:$0x3FB5]  }
0x3d: {  	_ =	shalt  }
0x3e: {  	_ =	shalt  }
0x3f: {  	_ =	shalt  }
0x40: {  	_ =	shalt  }
0x41: {  	_ =	shalt  }
0x42: {  	_ =	shalt  }
0x43: {  	_ =	shalt  }
0x44: {  	_ =	shalt  }
0x45: {  	_ =	shalt  }
0x46: {  	_ =	shalt  }
0x47: {  	_ =	shalt  }
0x48: {  	_ =	shalt  }
0x49: {  	_ =	shalt  }
0x4a: {  	_ =	shalt  }
0x4b: {  	_ =	shalt  }
0x4c: {  	_ =	shalt  }
0x4d: {  	_ =	shalt  }
0x4e: {  	_ =	shalt  }
0x4f: {  	_ =	shalt  }
0x50: {  	_ =	shalt  }
0x51: {  	_ =	shalt  }
0x52: {  	_ =	shalt  }
0x53: {  	_ =	shalt  }
0x54: {  	_ =	shalt  }
0x55: {  	_ =	shalt  }
0x56: {  	_ =	shalt  }
0x57: {  	_ =	shalt  }
0x58: {  	_ =	shalt  }
0x59: {  	_ =	shalt  }
0x5a: {  	_ =	shalt  }
0x5b: {  	_ =	shalt  }
0x5c: {  	_ =	shalt  }
0x5d: {  	_ =	shalt  }
0x5e: {  	_ =	shalt  }
0x5f: {  	_ =	shalt  }
0x60: {  	_ =	shalt  }
0x61: {  	_ =	shalt  }
0x62: {  	_ =	shalt  }
0x63: {  	_ =	shalt  }
0x64: {  	_ =	shalt  }
0x65: {  	_ =	shalt  }
0x66: {  	_ =	shalt  }
0x67: {  	_ =	shalt  }
0x68: {  	_ =	shalt  }
0x69: {  	_ =	shalt  }
0x6a: {  	_ =	shalt  }
0x6b: {  	_ =	shalt  }
0x6c: {  	_ =	shalt  }
0x6d: {  	_ =	shalt  }
0x6e: {  	_ =	shalt  }
0x6f: {  	_ =	shalt  }
0x70: {  	_ =	shalt  }
0x71: {  	_ =	shalt  }
0x72: {  	_ =	shalt  }
0x73: {  	_ =	shalt  }
0x74: {  	_ =	shalt  }
0x75: {  	_ =	shalt  }
0x76: {  	_ =	shalt  }
0x77: {  	_ =	shalt  }
0x78: {  	_ =	shalt  }
0x79: {  	_ =	shalt  }
0x7a: {  	_ =	shalt  }
0x7b: {  	_ =	shalt  }
0x7c: {  	_ =	shalt  }
0x7d: {  	_ =	shalt  }
0x7e: {  	_ =	shalt  }
0x7f: {  	_ =	shalt  }
0x80: {  	_ =	shalt  }
0x81: {  	_ =	shalt  }
0x82: {  	_ =	shalt  }
0x83: {  	_ =	shalt  }
0x84: {  	_ =	shalt  }
0x85: {  	_ =	shalt  }
0x86: {  	_ =	shalt  }
0x87: {  	_ =	shalt  }
.Lfunc_end0:
.L_simem_size_0:
called_computation_lowered:
.L_overlay_start_0:
0x88: {  	s2 =	sld [smem:$0x3FD9]  }
0x89: {  	s3 =	sld [smem:$0x3FFE];
	_ =	sdelay $0x1  }
0x8a: {  	s1 =	srdreg.scid  }
0x8b: {  	s0 =	sand.u32 $0x1, s1  }
0x8c: {  	s17 =	sshll.u32 s0, $0xA;
	s2 =	sadd.s32 s3, s2  }
0x8d: {  	s2 =	sadd.s32 s2, s17  }
0x8e: {  	[smem:$0x3FC1] =	sst s2  }
0x8f: {  	_ = 	snop  }
0x90: {  	s2 =	sld [smem:$0x3FD0];
	(tm) =	ssettm $0x1  }
0x91: {  	s18 =	sld [smem:$0x3FFB];
	_ =	sdelay $0x3  }
0x92: {  	_ =	strace s18  }
0x93: {  	s3 =	sld [smem:$0x3FFC];
	_ =	sdelay $0x3  }
0x94: {  	_ =	strace s3  }
0x95: {  	s3 =	sld [smem:$0x3FFD];
	_ =	sdelay $0x3  }
0x96: {  	_ =	strace s3  }
0x97: {  	_ =	strace $0x8FFFFFFF  }
0x98: {  	s19 =	sld [smem:$0x3FDB];
	_ =	sdelay $0x1  }
0x99: {  	s4 =	simm.s32 $_scs_section_size  }
0x9a: {  	s5 =	simm.s32 $_size__tile_overlayer_lowered;
	s6 =	simm.s32 $_tile_overlayer_lowered  }
0x9b: {  	s22 =	simm.s32 $0x1BFF;
	s21 =	sshll.u32 s6, $0x1;
	s3 =	sadd.s32 s4, s19  }
0x9c: {  	s7 =	simm.s32 $0x0;
	s20 =	sshll.u32 s5, $0x1;
	s5 =	sadd.s32 s21, s3  }
0x9d: {  	[timem:s7], [sflag:s22] =	dma.local [hbm:s5], s20  }
0x9e: {  	_ =	swait.ge [sflag:s22], s20  }
0x9f: {  	s4 =	ssub.s32 $0x0, s20;
	[sflag:s22] =	ssyncset.done $0x0  }
0xa0: {  	[sflag:s22] =	ssyncadd.s32 s4;
	_ =	sdelay $0x1  }
0xa1: {  	s23 =	simm.s32 $0x1B8B  }
0xa2: {  	_ =	swait.ge [sflag:s23], $0x1  }
0xa3: {  	[sflag:s23] =	ssyncset.done $0x0  }
0xa4: {  	s25 =	simm.s32 $0x1B8E;
	s24 =	sld [smem:$0x3FFE];
	[sflag:s23] =	ssyncadd.s32 $0xFFFFFFFF  }
0xa5: {  	s26 =	simm.s32 $execute0_lowered;
	[smem:$0x3FD2] =	sst s25  }
0xa6: {  	s5 =	sshll.u32 s26, $0x1;
	_ =	strace $0x80000046;
	[dreg:$0x1] =	wrdreg $0xFFFFFFFF  }
0xa7: {  	s28 =	simm.s32 $_size_execute0_lowered;
	s3 =	sadd.s32 s3, s5;
	[dreg:$0x0] =	wrdreg $0x0  }
0xa8: {  	s5 =	sshll.u32 s28, $0x1;
	[dreg:$0x2] =	wrdreg s3  }
0xa9: {  	[dreg:$0x3] =	wrdreg s5  }
0xaa: {  	[dreg:$0x4] =	wrdreg $0xC0  }
0xab: {  	_ =	task [dreg:s7], $0x5FFFF  }
0xac: {  	[dreg:$0x1] =	wrdreg $0xFFFFFFFF  }
0xad: {  	[dreg:$0x0] =	wrdreg $0x60  }
0xae: {  	[dreg:$0x2] =	wrdreg s2  }
0xaf: {  	[dreg:$0x3] =	wrdreg s24  }
0xb0: {  	[dreg:$0x4] =	wrdreg $0xC7600  }
0xb1: {  	[dreg:$0x5] =	wrdreg $0x9  }
0xb2: {  	_ =	task.clear_ibuf [dreg:s7], $0x6FFFF;
	_ =	strace $0x90000046  }
0xb3: {  	s29 =	simm.s32 $0x9;
	_ =	strace $0x80000048  }
0xb4: {  	_ =	swait.ge [sflag:s29], $0x1  }
0xb5: {  	[sflag:s29] =	ssyncadd.s32 $0xFFFFFFFF  }
0xb6: {  	_ =	strace $0x90000048  }
0xb7: {  	_ =	sfence  }
0xb8: {  	s30 =	sld [smem:$0x0];
	_ =	sdelay $0x2  }
0xb9: {  	s31 =	sshll.u32 s1, $0xD;
	s1 =	sshrl.u32 s1, $0x2  }
0xba: {  	s3 =	sand.u32 $0x4000, s31;
	s1 =	sadd.s32 s1, s30  }
0xbb: {  	s0 =	sor.u32 s3, s0;
	s1 =	sshll.u32 s1, $0x11  }
0xbc: {  	s0 =	sor.u32 s1, s0  }
0xbd: {  	s0 =	sadd.s32 $0x8F2B, s0  }
0xbe: {  	[sflag:s0] =	ssyncadd.remote.s32 $0x1  }
0xbf: {  	_ =	sfence.sel $0xFFFF  }
0xc0: {  	[dreg:$0x0] =	wrdreg $0xFFFFFFFF;
	(pc) =	sbr.abs _section_cstart, $3  }
0xc1: {  	[dreg:$0x1] =	wrdreg $0xFFFFFFFF  }
0xc2: {  	_ =	task.clear_ibuf [dreg:s7], $0x2FFFF;
	_ =	strace $0x9FFFFFFF  }
0xc3: {  	(tm) =	ssettm $0x7FFFFFFF  }
tec
execute0_lowered:
.L_overlay_start_1:
0x0: {  	(tag) =	ssettag $0x1  }
0x1: {  	s1 =	rddreg [dreg:$0x0]  }
0x2: {  	s0 =	rddreg [dreg:$0x1]  }
0x3: {  	s3 =	rddreg [dreg:$0x2];
	s2 =	srdreg.scid  }
0x4: {  	s7 =	stileid.u32;
	s8 =	simm.s32 $0x0;
	s28 =	simm.s32 $0x6  }
0x5: {  	s29 =	simm.s32 $0x1;
	s30 =	simm.s32 $0x50;
	s31 =	simm.s32 $0x4E20  }
0x6: {  	s9 =	simm.s32 $0x4F10;
	s10 =	simm.s32 $0x9F60;
	s11 =	simm.s32 $0x5  }
0x7: {  	s2 =	sand.u32 $0x1, s2;
	s6 =	smul.u32 $0x13880, s7;
	[smem:$0x7FF] =	sst s8  }
0x8: {  	s12 =	smul.u32 $0x4E200, s7;
	s8 =	simm.s32 $0x4;
	s4 =	sshll.u32 s2, $0x4  }
0x9: {  	s5 =	smul.u32 $0x138800, s2;
	_ =	strace $0x80000047;
	s2 =	ssub.s32 $0x2, s2  }
0xa: {  	s4 =	sor.u32 s7, s4;
	s13 =	sshrl.u32 s2, $0x1;
	s7 =	simm.s32 $0x3  }
0xb: {  	s4 =	smul.u32 $0x4E2, s4;
	s5 =	sadd.s32 s6, s5;
	s6 =	sshrl.u32 s12, $0x2  }
0xc: {  	s2 =	ssub.s32 s2, s13;
	s12 =	simm.s32 $0x0;
	s6 =	sadd.s32 s6, s3  }
0xd: {  	s5 =	sshrl.u32 s5, $0x3;
	s4 =	sadd.s32 s4, s0;
	s15 =	sadd.s32 $0x2800, s6  }
0xe: {  	s0 =	sadd.s32 s5, s0;
	s16 =	sadd.s32 $0x5000, s6;
	[dreg:$0x6] =	wrdreg s15  }
0xf: {  	s17 =	sadd.s32 $0x7800, s6;
	s18 =	sadd.s32 $0xA000, s6;
	[dreg:$0x7] =	wrdreg s16  }
0x10: {  	s19 =	sadd.s32 $0xC800, s6;
	s20 =	sadd.s32 $0xF000, s6;
	[dreg:$0x8] =	wrdreg s17  }
0x11: {  	s21 =	sadd.s32 $0x11800, s6;
	s23 =	sadd.s32 $0x3E80, s6;
	[dreg:$0x9] =	wrdreg s18  }
0x12: {  	s24 =	sadd.s32 $0x7D00, s6;
	s25 =	sadd.s32 $0xBB80, s6;
	[dreg:$0xa] =	wrdreg s19  }
0x13: {  	s26 =	sadd.s32 $0xFA00, s6;
	s5 =	simm.s32 $0x4EC0;
	[dreg:$0xb] =	wrdreg s20  }
0x14: {  	s14 =	sadd.s32 $0xAC00, s4;
	s4 =	sadd.s32 $0xE00, s4;
	[dreg:$0xc] =	wrdreg s21  }
0x15: {  	s22 =	sadd.s32 $0x14A00, s0;
	s16 =	sadd.s32 $0x151D0, s0;
	s17 =	sadd.s32 $0x159A0, s0  }
0x16: {  	s18 =	sadd.s32 $0x16170, s0;
	s19 =	sadd.s32 $0x16940, s0;
	[dreg:$0x4] =	wrdreg s14  }
0x17: {  	s20 =	smax.u32 s2, $0x1;
	s0 =	simm.s32 $0x4F60;
	[dreg:$0x5] =	wrdreg s4  }
0x18: {  	s21 =	simm.s32 $0x2;
	s2 =	simm.s32 $0x4E70;
	[dreg:$0xd] =	wrdreg s22  }
0x19: {  	s22 =	sshrl.u32 s23, $0x3;
	s23 =	sshrl.u32 s24, $0x3;
	s24 =	sshrl.u32 s25, $0x3  }
0x1a: {  	v0 =	vimm.f32 $0.0e+00;
	s25 =	sshrl.u32 s26, $0x3;
	s26 =	simm.s32 $0x7760;
	s4 =	simm.s32 $0x6360  }
.LBB2_1:
0x1b: {  	s13 =	simm.s32 $0x0;
	s14 =	rddreg [dreg:$0x4]  }
0x1c: {  	[tilespmem:s13], [sflag:$0x1] =	stream.linear.gather [hbm4b:s14+s13], $0x2710, $0x38;
	v63 =	vld [tilespmem:$0x0]  }
0x1d: {  	s15 =	simm.s32 $0x2710;
	s14 =	rddreg [dreg:$0x5]  }
0x1e: {  	[tilespmem:s15], [sflag:$0x1] =	stream.linear.gather [hbm4b:s14+s13], $0x2710, $0x38;
	v63 =	vld [tilespmem:$0x0]  }
0x1f: {  	s13 =	simm.s32 $0x0;
	s14 =	simm.s32 $0x200  }
.LBB2_2:
0x20: {  	p0 =	sne.s32 s14, $0x9E00;
	[tilespmem:s13+$0x77D0] =	vst v0  }
0x21: {  	[tilespmem:s13+$0x7760] =	vst v0  }
0x22: {  	[tilespmem:s13+$0x7770] =	vst v0  }
.Ltmp0:
0x23: {  	[tilespmem:s13+$0x7780] =	vst v0;
	(pc) =	sbr.rel @p0 .LBB2_2-.Ltmp0, $4  }
0x24: {  	[tilespmem:s13+$0x7790] =	vst v0  }
0x25: {  	[tilespmem:s13+$0x77A0] =	vst v0  }
0x26: {  	[tilespmem:s13+$0x77B0] =	vst v0  }
0x27: {  	[tilespmem:s13+$0x77C0] =	vst v0;
	s13 =	sshra.s32 s14, $0x2;
	s14 =	sadd.s32 $0x200, s14  }
0x28: {  	[tilespmem:s13+$0x77D0] =	vst v0  }
0x29: {  	[tilespmem:s13+$0x7760] =	vst v0  }
0x2a: {  	[tilespmem:s13+$0x7770] =	vst v0  }
0x2b: {  	[tilespmem:s13+$0x7780] =	vst v0  }
0x2c: {  	[tilespmem:s13+$0x7790] =	vst v0  }
0x2d: {  	[tilespmem:s13+$0x77A0] =	vst v0  }
0x2e: {  	[tilespmem:s13+$0x77B0] =	vst v0  }
0x2f: {  	[tilespmem:s13+$0x77C0] =	vst v0  }
0x30: {  	[spmem:s6] =	stream.linear.scatter [tilespmem:s26], [sflag:$0x6], $0x2800, $0x38;
	v63 =	vld [tilespmem:$0x0]  }
0x31: {  	_ =	swait.ge [sflag:s28], $0x2800  }
0x32: {  	[sflag:s28] =	ssyncset.done $0x0  }
0x33: {  	s15 =	rddreg [dreg:$0x6];
	[sflag:s28] =	ssyncadd.s32 $0xFFFFD800  }
0x34: {  	[spmem:s15] =	stream.linear.scatter [tilespmem:s26], [sflag:$0x6], $0x2800, $0x38;
	v63 =	vld [tilespmem:$0x0]  }
0x35: {  	_ =	swait.ge [sflag:s28], $0x2800  }
0x36: {  	[sflag:s28] =	ssyncset.done $0x0  }
0x37: {  	s14 =	rddreg [dreg:$0x7];
	[sflag:s28] =	ssyncadd.s32 $0xFFFFD800  }
0x38: {  	[spmem:s14] =	stream.linear.scatter [tilespmem:s26], [sflag:$0x6], $0x2800, $0x38;
	v63 =	vld [tilespmem:$0x0]  }
0x39: {  	_ =	swait.ge [sflag:s28], $0x2800  }
0x3a: {  	[sflag:s28] =	ssyncset.done $0x0  }
0x3b: {  	s15 =	rddreg [dreg:$0x8];
	[sflag:s28] =	ssyncadd.s32 $0xFFFFD800  }
0x3c: {  	[spmem:s15] =	stream.linear.scatter [tilespmem:s26], [sflag:$0x6], $0x2800, $0x38;
	v63 =	vld [tilespmem:$0x0]  }
0x3d: {  	_ =	swait.ge [sflag:s28], $0x2800  }
0x3e: {  	[sflag:s28] =	ssyncset.done $0x0  }
0x3f: {  	s14 =	rddreg [dreg:$0x9];
	[sflag:s28] =	ssyncadd.s32 $0xFFFFD800  }
0x40: {  	[spmem:s14] =	stream.linear.scatter [tilespmem:s26], [sflag:$0x6], $0x2800, $0x38;
	v63 =	vld [tilespmem:$0x0]  }
0x41: {  	_ =	swait.ge [sflag:s28], $0x2800  }
0x42: {  	[sflag:s28] =	ssyncset.done $0x0  }
0x43: {  	s15 =	rddreg [dreg:$0xa];
	[sflag:s28] =	ssyncadd.s32 $0xFFFFD800  }
0x44: {  	[spmem:s15] =	stream.linear.scatter [tilespmem:s26], [sflag:$0x6], $0x2800, $0x38;
	v63 =	vld [tilespmem:$0x0]  }
0x45: {  	_ =	swait.ge [sflag:s28], $0x2800  }
0x46: {  	[sflag:s28] =	ssyncset.done $0x0  }
0x47: {  	s14 =	rddreg [dreg:$0xb];
	[sflag:s28] =	ssyncadd.s32 $0xFFFFD800  }
0x48: {  	[spmem:s14] =	stream.linear.scatter [tilespmem:s26], [sflag:$0x6], $0x2800, $0x38;
	v63 =	vld [tilespmem:$0x0]  }
0x49: {  	_ =	swait.ge [sflag:s28], $0x2800  }
0x4a: {  	[sflag:s28] =	ssyncset.done $0x0  }
0x4b: {  	s15 =	rddreg [dreg:$0xc];
	[sflag:s28] =	ssyncadd.s32 $0xFFFFD800  }
0x4c: {  	[spmem:s15] =	stream.linear.scatter [tilespmem:s26], [sflag:$0x6], $0x2080, $0x38;
	v63 =	vld [tilespmem:$0x0]  }
0x4d: {  	_ =	swait.ge [sflag:s28], $0x2080  }
0x4e: {  	[sflag:s28] =	ssyncset.done $0x0  }
0x4f: {  	[sflag:s28] =	ssyncadd.s32 $0xFFFFDF80  }
0x50: {  	_ =	swait.ge [sflag:s29], $0x2710  }
0x51: {  	[sflag:s29] =	ssyncset.done $0x0  }
0x52: {  	[sflag:s29] =	ssyncadd.s32 $0xFFFFD8F0  }
0x53: {  	_ =	swait.ge [sflag:s29], $0x2710  }
0x54: {  	[sflag:s29] =	ssyncset.done $0x0  }
0x55: {  	[sflag:s29] =	ssyncadd.s32 $0xFFFFD8F0  }
0x56: {  	[bflag:$0x0] =	sbarrier.arrive $0xFFFF  }
0x57: {  	v1 =	vld [tilespmem:$0x0];
	_ =	sdelay $0x1  }
0x58: {  	v2 =	vld [tilespmem:$0x10];
	_ =	sdelay $0x1  }
0x59: {  	v3 =	vld [tilespmem:$0x20]  }
0x5a: {  	v4 =	vand.u32 $0x3FFF, v1  }
0x5b: {  	v60 =	vld [tilespmem:$0x30];
	v1 =	vshra.s32 v1, $0xE;
	[tilespmem:$0x4E20] =	vst v4  }
0x5c: {  	[tilespmem:$0x4EC0] =	vst v1;
	v1 =	vand.u32 $0x3FFF, v2  }
0x5d: {  	[tilespmem:$0x4E30] =	vst v1;
	v1 =	vshra.s32 v2, $0xE;
	v2 =	vld [tilespmem:$0x40]  }
0x5e: {  	[tilespmem:$0x4ED0] =	vst v1;
	v1 =	vand.u32 $0x3FFF, v3  }
0x5f: {  	[tilespmem:$0x4E40] =	vst v1;
	v1 =	vshra.s32 v3, $0xE  }
0x60: {  	[tilespmem:$0x4EE0] =	vst v1;
	v1 =	vand.u32 $0x3FFF, v60  }
0x61: {  	[tilespmem:$0x4E50] =	vst v1;
	v1 =	vshra.s32 v60, $0xE  }
0x62: {  	[tilespmem:$0x4EF0] =	vst v1;
	v1 =	vand.u32 $0x3FFF, v2  }
0x63: {  	[tilespmem:$0x4E60] =	vst v1;
	v1 =	vshra.s32 v2, $0xE  }
0x64: {  	[tilespmem:$0x4F00] =	vst v1  }
0x65: {  	[tilespmem:s0], [sflag:$0x2] =	stream.indirect.gather [hbm4b:s1+s30], $0x40, s31, s30, $0xb8;
	v63 =	vld [tilespmem:$0x0]  }
0x66: {  	v1 =	vld [tilespmem:$0x50];
	_ =	sdelay $0x1  }
0x67: {  	v2 =	vld [tilespmem:$0x60];
	_ =	sdelay $0x1  }
0x68: {  	v3 =	vld [tilespmem:$0x70]  }
0x69: {  	v61 =	vand.u32 $0x3FFF, v1  }
0x6a: {  	v62 =	vld [tilespmem:$0x80];
	v1 =	vshra.s32 v1, $0xE;
	[tilespmem:$0x4E70] =	vst v61  }
0x6b: {  	[tilespmem:$0x4F10] =	vst v1;
	v1 =	vand.u32 $0x3FFF, v2  }
0x6c: {  	[tilespmem:$0x4E80] =	vst v1;
	v1 =	vshra.s32 v2, $0xE;
	v2 =	vld [tilespmem:$0x90]  }
0x6d: {  	[tilespmem:$0x4F20] =	vst v1;
	v1 =	vand.u32 $0x3FFF, v3  }
0x6e: {  	[tilespmem:$0x4E90] =	vst v1;
	v1 =	vshra.s32 v3, $0xE  }
0x6f: {  	[tilespmem:$0x4F30] =	vst v1;
	v1 =	vand.u32 $0x3FFF, v62  }
0x70: {  	[tilespmem:$0x4EA0] =	vst v1;
	v1 =	vshra.s32 v62, $0xE  }
0x71: {  	[tilespmem:$0x4F40] =	vst v1;
	v1 =	vand.u32 $0x3FFF, v2  }
0x72: {  	[tilespmem:$0x4EB0] =	vst v1;
	v1 =	vshra.s32 v2, $0xE  }
0x73: {  	[tilespmem:$0x4F50] =	vst v1  }
0x74: {  	_ =	swait.ge [sflag:s21], $0x1400  }
0x75: {  	[sflag:s21] =	ssyncset.done $0x0  }
0x76: {  	[sflag:s21] =	ssyncadd.s32 $0xFFFFEC00  }
0x77: {  	[tilespmem:s4], [sflag:$0x3] =	stream.indirect.gather [hbm4b:s1+s30], $0x40, s2, s30, $0xb8;
	v63 =	vld [tilespmem:$0x0]  }
0x78: {  	_ = 	snop  }
0x79: {  	[spmem:s3] =	stream.indirect.scatter.add.f32 [tilespmem:s26], [sflag:$0x4], $0x80, s5, s30, $0xb8;
	v63 =	vld [tilespmem:$0x0]  }
0x7a: {  	_ =	swait.ge [sflag:s7], $0x1400  }
0x7b: {  	[sflag:s7] =	ssyncset.done $0x0  }
0x7c: {  	[sflag:s7] =	ssyncadd.s32 $0xFFFFEC00  }
0x7d: {  	_ =	swait.ge [sflag:s8], $0x2800  }
0x7e: {  	[sflag:s8] =	ssyncset.done $0x0  }
0x7f: {  	s13 =	simm.s32 $0x0;
	[sflag:s8] =	ssyncadd.s32 $0xFFFFD800  }
0x80: {  	v1 =	vld [tilespmem:s13+$0xA0];
	_ =	sdelay $0x4  }
0x81: {  	v2 =	vand.u32 $0x3FFF, v1  }
0x82: {  	v1 =	vshra.s32 v1, $0xE;
	[tilespmem:$0x4E20] =	vst v2  }
0x83: {  	[tilespmem:$0x4EC0] =	vst v1  }
0x84: {  	v1 =	vld [tilespmem:s13+$0xB0];
	_ =	sdelay $0x4  }
0x85: {  	v2 =	vand.u32 $0x3FFF, v1  }
0x86: {  	v1 =	vshra.s32 v1, $0xE;
	[tilespmem:$0x4E30] =	vst v2  }
0x87: {  	[tilespmem:$0x4ED0] =	vst v1  }
0x88: {  	v1 =	vld [tilespmem:s13+$0xC0];
	_ =	sdelay $0x4  }
0x89: {  	v2 =	vand.u32 $0x3FFF, v1  }
0x8a: {  	v1 =	vshra.s32 v1, $0xE;
	[tilespmem:$0x4E40] =	vst v2  }
0x8b: {  	[tilespmem:$0x4EE0] =	vst v1  }
0x8c: {  	v1 =	vld [tilespmem:s13+$0xD0];
	_ =	sdelay $0x4  }
0x8d: {  	v2 =	vand.u32 $0x3FFF, v1  }
0x8e: {  	v1 =	vshra.s32 v1, $0xE;
	[tilespmem:$0x4E50] =	vst v2  }
0x8f: {  	[tilespmem:$0x4EF0] =	vst v1  }
0x90: {  	v1 =	vld [tilespmem:s13+$0xE0];
	_ =	sdelay $0x4  }
0x91: {  	v2 =	vand.u32 $0x3FFF, v1  }
0x92: {  	v1 =	vshra.s32 v1, $0xE;
	[tilespmem:$0x4E60] =	vst v2  }
0x93: {  	[tilespmem:$0x4F00] =	vst v1  }
0x94: {  	[tilespmem:s0], [sflag:$0x2] =	stream.indirect.gather [hbm4b:s1+s30], $0x40, s31, s30, $0xb8;
	v63 =	vld [tilespmem:$0x0]  }
0x95: {  	_ = 	snop  }
0x96: {  	[spmem:s3] =	stream.indirect.scatter.add.f32 [tilespmem:s10], [sflag:$0x5], $0x80, s9, s30, $0xb8;
	v63 =	vld [tilespmem:$0x0]  }
0x97: {  	_ =	swait.ge [sflag:s21], $0x1400  }
0x98: {  	[sflag:s21] =	ssyncset.done $0x0  }
0x99: {  	[sflag:s21] =	ssyncadd.s32 $0xFFFFEC00  }
0x9a: {  	_ =	swait.ge [sflag:s11], $0x2800  }
0x9b: {  	[sflag:s11] =	ssyncset.done $0x0  }
0x9c: {  	[sflag:s11] =	ssyncadd.s32 $0xFFFFD800  }
0x9d: {  	v1 =	vld [tilespmem:s13+$0xF0];
	_ =	sdelay $0x4  }
0x9e: {  	v2 =	vand.u32 $0x3FFF, v1  }
0x9f: {  	v1 =	vshra.s32 v1, $0xE;
	[tilespmem:$0x4E70] =	vst v2  }
0xa0: {  	[tilespmem:$0x4F10] =	vst v1  }
0xa1: {  	v1 =	vld [tilespmem:s13+$0x100];
	_ =	sdelay $0x4  }
0xa2: {  	v2 =	vand.u32 $0x3FFF, v1  }
0xa3: {  	v1 =	vshra.s32 v1, $0xE;
	[tilespmem:$0x4E80] =	vst v2  }
0xa4: {  	[tilespmem:$0x4F20] =	vst v1  }
0xa5: {  	v1 =	vld [tilespmem:s13+$0x110];
	_ =	sdelay $0x4  }
0xa6: {  	v2 =	vand.u32 $0x3FFF, v1  }
0xa7: {  	v1 =	vshra.s32 v1, $0xE;
	[tilespmem:$0x4E90] =	vst v2  }
0xa8: {  	[tilespmem:$0x4F30] =	vst v1  }
0xa9: {  	v1 =	vld [tilespmem:s13+$0x120];
	_ =	sdelay $0x4  }
0xaa: {  	v2 =	vand.u32 $0x3FFF, v1  }
0xab: {  	v1 =	vshra.s32 v1, $0xE;
	[tilespmem:$0x4EA0] =	vst v2  }
0xac: {  	s14 =	simm.s32 $0x280;
	[tilespmem:$0x4F40] =	vst v1  }
.LBB2_4:
0xad: {  	v1 =	vld [tilespmem:s13+$0x130];
	s13 =	smov.u32 s14;
	s14 =	sadd.s32 $0x280, s14  }
0xae: {  	p0 =	sne.s32 s14, $0x9880;
	_ =	sdelay $0x3  }
0xaf: {  	v2 =	vand.u32 $0x3FFF, v1;
	v1 =	vshra.s32 v1, $0xE  }
0xb0: {  	[tilespmem:$0x4EB0] =	vst v2  }
0xb1: {  	[tilespmem:$0x4F50] =	vst v1  }
0xb2: {  	[tilespmem:s4], [sflag:$0x3] =	stream.indirect.gather [hbm4b:s1+s30], $0x40, s2, s30, $0xb8;
	v63 =	vld [tilespmem:$0x0]  }
0xb3: {  	_ = 	snop  }
0xb4: {  	[spmem:s3] =	stream.indirect.scatter.add.f32 [tilespmem:s26], [sflag:$0x4], $0x80, s5, s30, $0xb8;
	v63 =	vld [tilespmem:$0x0]  }
0xb5: {  	_ =	swait.ge [sflag:s7], $0x1400  }
0xb6: {  	[sflag:s7] =	ssyncset.done $0x0  }
0xb7: {  	[sflag:s7] =	ssyncadd.s32 $0xFFFFEC00  }
0xb8: {  	_ =	swait.ge [sflag:s8], $0x2800  }
0xb9: {  	[sflag:s8] =	ssyncset.done $0x0  }
0xba: {  	s13 =	sshra.s32 s13, $0x2;
	[sflag:s8] =	ssyncadd.s32 $0xFFFFD800  }
0xbb: {  	v1 =	vld [tilespmem:s13+$0xA0];
	_ =	sdelay $0x4  }
0xbc: {  	v2 =	vand.u32 $0x3FFF, v1;
	v1 =	vshra.s32 v1, $0xE  }
0xbd: {  	[tilespmem:$0x4E20] =	vst v2  }
0xbe: {  	[tilespmem:$0x4EC0] =	vst v1  }
0xbf: {  	v1 =	vld [tilespmem:s13+$0xB0];
	_ =	sdelay $0x4  }
0xc0: {  	v2 =	vand.u32 $0x3FFF, v1;
	v1 =	vshra.s32 v1, $0xE  }
0xc1: {  	[tilespmem:$0x4E30] =	vst v2  }
0xc2: {  	[tilespmem:$0x4ED0] =	vst v1  }
0xc3: {  	v1 =	vld [tilespmem:s13+$0xC0];
	_ =	sdelay $0x4  }
0xc4: {  	v2 =	vand.u32 $0x3FFF, v1;
	v1 =	vshra.s32 v1, $0xE  }
0xc5: {  	[tilespmem:$0x4E40] =	vst v2  }
0xc6: {  	[tilespmem:$0x4EE0] =	vst v1  }
0xc7: {  	v1 =	vld [tilespmem:s13+$0xD0];
	_ =	sdelay $0x4  }
0xc8: {  	v2 =	vand.u32 $0x3FFF, v1;
	v1 =	vshra.s32 v1, $0xE  }
0xc9: {  	[tilespmem:$0x4E50] =	vst v2  }
0xca: {  	[tilespmem:$0x4EF0] =	vst v1  }
0xcb: {  	v1 =	vld [tilespmem:s13+$0xE0];
	_ =	sdelay $0x4  }
0xcc: {  	v2 =	vand.u32 $0x3FFF, v1;
	v1 =	vshra.s32 v1, $0xE  }
0xcd: {  	[tilespmem:$0x4E60] =	vst v2  }
0xce: {  	[tilespmem:$0x4F00] =	vst v1  }
0xcf: {  	[tilespmem:s0], [sflag:$0x2] =	stream.indirect.gather [hbm4b:s1+s30], $0x40, s31, s30, $0xb8;
	v63 =	vld [tilespmem:$0x0]  }
0xd0: {  	_ = 	snop  }
0xd1: {  	[spmem:s3] =	stream.indirect.scatter.add.f32 [tilespmem:s10], [sflag:$0x5], $0x80, s9, s30, $0xb8;
	v63 =	vld [tilespmem:$0x0]  }
0xd2: {  	_ =	swait.ge [sflag:s21], $0x1400  }
0xd3: {  	[sflag:s21] =	ssyncset.done $0x0  }
0xd4: {  	[sflag:s21] =	ssyncadd.s32 $0xFFFFEC00  }
0xd5: {  	_ =	swait.ge [sflag:s11], $0x2800  }
0xd6: {  	[sflag:s11] =	ssyncset.done $0x0  }
0xd7: {  	[sflag:s11] =	ssyncadd.s32 $0xFFFFD800  }
0xd8: {  	v1 =	vld [tilespmem:s13+$0xF0];
	_ =	sdelay $0x4  }
0xd9: {  	v2 =	vand.u32 $0x3FFF, v1;
	v1 =	vshra.s32 v1, $0xE  }
0xda: {  	[tilespmem:$0x4E70] =	vst v2  }
0xdb: {  	[tilespmem:$0x4F10] =	vst v1  }
0xdc: {  	v1 =	vld [tilespmem:s13+$0x100];
	_ =	sdelay $0x4  }
0xdd: {  	v2 =	vand.u32 $0x3FFF, v1;
	v1 =	vshra.s32 v1, $0xE  }
0xde: {  	[tilespmem:$0x4E80] =	vst v2  }
0xdf: {  	[tilespmem:$0x4F20] =	vst v1  }
0xe0: {  	v1 =	vld [tilespmem:s13+$0x110];
	_ =	sdelay $0x4  }
0xe1: {  	v2 =	vand.u32 $0x3FFF, v1;
	v1 =	vshra.s32 v1, $0xE  }
0xe2: {  	[tilespmem:$0x4E90] =	vst v2  }
0xe3: {  	[tilespmem:$0x4F30] =	vst v1  }
0xe4: {  	v1 =	vld [tilespmem:s13+$0x120];
	_ =	sdelay $0x2  }
.Ltmp1:
0xe5: {  	(pc) =	sbr.rel @p0 .LBB2_4-.Ltmp1, $4  }
0xe6: {  	_ = 	snop  }
0xe7: {  	v2 =	vand.u32 $0x3FFF, v1;
	v1 =	vshra.s32 v1, $0xE  }
0xe8: {  	[tilespmem:$0x4EA0] =	vst v2  }
0xe9: {  	[tilespmem:$0x4F40] =	vst v1  }
0xea: {  	v1 =	vld [tilespmem:s13+$0x130];
	_ =	sdelay $0x4  }
0xeb: {  	v2 =	vand.u32 $0x3FFF, v1  }
0xec: {  	v1 =	vshra.s32 v1, $0xE;
	[tilespmem:$0x4EB0] =	vst v2  }
0xed: {  	[tilespmem:$0x4F50] =	vst v1  }
0xee: {  	[tilespmem:s4], [sflag:$0x3] =	stream.indirect.gather [hbm4b:s1+s30], $0x40, s2, s30, $0xb8;
	v63 =	vld [tilespmem:$0x0]  }
0xef: {  	_ = 	snop  }
0xf0: {  	[spmem:s3] =	stream.indirect.scatter.add.f32 [tilespmem:s26], [sflag:$0x4], $0x80, s5, s30, $0xb8;
	v63 =	vld [tilespmem:$0x0]  }
0xf1: {  	_ =	swait.ge [sflag:s7], $0x1400  }
0xf2: {  	[sflag:s7] =	ssyncset.done $0x0  }
0xf3: {  	[sflag:s7] =	ssyncadd.s32 $0xFFFFEC00  }
0xf4: {  	_ =	swait.ge [sflag:s8], $0x2800  }
0xf5: {  	[sflag:s8] =	ssyncset.done $0x0  }
0xf6: {  	s14 =	sshra.s32 s14, $0x2;
	[sflag:s8] =	ssyncadd.s32 $0xFFFFD800  }
0xf7: {  	v1 =	vld [tilespmem:s14+$0xA0];
	_ =	sdelay $0x4  }
0xf8: {  	v2 =	vand.u32 $0x3FFF, v1  }
0xf9: {  	v1 =	vshra.s32 v1, $0xE;
	[tilespmem:$0x4E20] =	vst v2  }
0xfa: {  	[tilespmem:$0x4EC0] =	vst v1  }
0xfb: {  	v1 =	vld [tilespmem:s14+$0xB0];
	_ =	sdelay $0x4  }
0xfc: {  	v2 =	vand.u32 $0x3FFF, v1  }
0xfd: {  	v1 =	vshra.s32 v1, $0xE;
	[tilespmem:$0x4E30] =	vst v2  }
0xfe: {  	[tilespmem:$0x4ED0] =	vst v1  }
0xff: {  	v1 =	vld [tilespmem:s14+$0xC0];
	_ =	sdelay $0x4  }
0x100: {  	v2 =	vand.u32 $0x3FFF, v1  }
0x101: {  	v1 =	vshra.s32 v1, $0xE;
	[tilespmem:$0x4E40] =	vst v2  }
0x102: {  	[tilespmem:$0x4EE0] =	vst v1  }
0x103: {  	v1 =	vld [tilespmem:s14+$0xD0];
	_ =	sdelay $0x4  }
0x104: {  	v2 =	vand.u32 $0x3FFF, v1  }
0x105: {  	v1 =	vshra.s32 v1, $0xE;
	[tilespmem:$0x4E50] =	vst v2  }
0x106: {  	[tilespmem:$0x4EF0] =	vst v1  }
0x107: {  	v1 =	vld [tilespmem:s14+$0xE0];
	_ =	sdelay $0x4  }
0x108: {  	v2 =	vand.u32 $0x3FFF, v1  }
0x109: {  	v1 =	vshra.s32 v1, $0xE;
	[tilespmem:$0x4E60] =	vst v2  }
0x10a: {  	[tilespmem:$0x4F00] =	vst v1  }
0x10b: {  	[tilespmem:s0], [sflag:$0x2] =	stream.indirect.gather [hbm4b:s1+s30], $0x40, s31, s30, $0xb8;
	v63 =	vld [tilespmem:$0x0]  }
0x10c: {  	_ = 	snop  }
0x10d: {  	[spmem:s3] =	stream.indirect.scatter.add.f32 [tilespmem:s10], [sflag:$0x5], $0x80, s9, s30, $0xb8;
	v63 =	vld [tilespmem:$0x0]  }
0x10e: {  	_ =	swait.ge [sflag:s21], $0x1400  }
0x10f: {  	[sflag:s21] =	ssyncset.done $0x0  }
0x110: {  	[sflag:s21] =	ssyncadd.s32 $0xFFFFEC00  }
0x111: {  	_ =	swait.ge [sflag:s11], $0x2800  }
0x112: {  	[sflag:s11] =	ssyncset.done $0x0  }
0x113: {  	[sflag:s11] =	ssyncadd.s32 $0xFFFFD800  }
0x114: {  	v1 =	vld [tilespmem:$0x26C0];
	_ =	sdelay $0x1  }
0x115: {  	v2 =	vld [tilespmem:$0x26D0];
	_ =	sdelay $0x1  }
0x116: {  	v3 =	vld [tilespmem:$0x26E0]  }
0x117: {  	v4 =	vand.u32 $0x3FFF, v1  }
0x118: {  	v62 =	vld [tilespmem:$0x26F0];
	v1 =	vshra.s32 v1, $0xE;
	[tilespmem:$0x4E70] =	vst v4  }
0x119: {  	[tilespmem:$0x4F10] =	vst v1;
	v1 =	vand.u32 $0x3FFF, v2  }
0x11a: {  	[tilespmem:$0x4E80] =	vst v1;
	v1 =	vshra.s32 v2, $0xE;
	v2 =	vld [tilespmem:$0x2700]  }
0x11b: {  	[tilespmem:$0x4F20] =	vst v1;
	v1 =	vand.u32 $0x3FFF, v3  }
0x11c: {  	[tilespmem:$0x4E90] =	vst v1;
	v1 =	vshra.s32 v3, $0xE  }
0x11d: {  	[tilespmem:$0x4F30] =	vst v1;
	v1 =	vand.u32 $0x3FFF, v62  }
0x11e: {  	[tilespmem:$0x4EA0] =	vst v1;
	v1 =	vshra.s32 v62, $0xE  }
0x11f: {  	[tilespmem:$0x4F40] =	vst v1;
	v1 =	vand.u32 $0x3FFF, v2  }
0x120: {  	[tilespmem:$0x4EB0] =	vst v1;
	v1 =	vshra.s32 v2, $0xE  }
0x121: {  	[tilespmem:$0x4F50] =	vst v1  }
0x122: {  	[tilespmem:s4], [sflag:$0x3] =	stream.indirect.gather [hbm4b:s1+s30], $0x40, s2, s30, $0xb8;
	v63 =	vld [tilespmem:$0x0]  }
0x123: {  	_ = 	snop  }
0x124: {  	[spmem:s3] =	stream.indirect.scatter.add.f32 [tilespmem:s26], [sflag:$0x4], $0x80, s5, s30, $0xb8;
	v63 =	vld [tilespmem:$0x0]  }
0x125: {  	_ =	swait.ge [sflag:s7], $0x1400  }
0x126: {  	[sflag:s7] =	ssyncset.done $0x0  }
0x127: {  	[sflag:s7] =	ssyncadd.s32 $0xFFFFEC00  }
0x128: {  	_ =	swait.ge [sflag:s8], $0x2800  }
0x129: {  	[sflag:s8] =	ssyncset.done $0x0  }
0x12a: {  	s15 =	stileid.u32;
	[sflag:s8] =	ssyncadd.s32 $0xFFFFD800  }
0x12b: {  	s13 =	sshll.u32 s15, $0x6;
	[bflag:$0x0] =	sbarrier.arrive $0xFFFF  }
0x12c: {  	s13 =	sor.u32 $0x1C06, s13;
	s14 =	sshrl.u32 s6, $0x3;
	s15 =	rddreg [dreg:$0xd]  }
0x12d: {  	[hbm:s15], [sflag:s13] =	dma.local [spmem:s14], $0x7D0  }
0x12e: {  	_ =	swait.ge [sflag:s28], $0x7D0  }
0x12f: {  	[sflag:s28] =	ssyncset.done $0x0  }
0x130: {  	[sflag:s28] =	ssyncadd.s32 $0xFFFFF830  }
0x131: {  	[hbm:s16], [sflag:s13] =	dma.local [spmem:s22], $0x7D0  }
0x132: {  	_ =	swait.ge [sflag:s28], $0x7D0  }
0x133: {  	[sflag:s28] =	ssyncset.done $0x0  }
0x134: {  	[sflag:s28] =	ssyncadd.s32 $0xFFFFF830  }
0x135: {  	[hbm:s17], [sflag:s13] =	dma.local [spmem:s23], $0x7D0  }
0x136: {  	_ =	swait.ge [sflag:s28], $0x7D0  }
0x137: {  	[sflag:s28] =	ssyncset.done $0x0  }
0x138: {  	[sflag:s28] =	ssyncadd.s32 $0xFFFFF830  }
0x139: {  	[hbm:s18], [sflag:s13] =	dma.local [spmem:s24], $0x7D0  }
0x13a: {  	s12 =	sadd.s32 $0x1, s12;
	_ =	swait.ge [sflag:s28], $0x7D0  }
0x13b: {  	p0 =	sne.s32 s12, s20;
	[sflag:s28] =	ssyncset.done $0x0  }
.Ltmp2:
0x13c: {  	[sflag:s28] =	ssyncadd.s32 $0xFFFFF830;
	(pc) =	sbr.rel @p0 .LBB2_1-.Ltmp2, $4  }
0x13d: {  	[hbm:s19], [sflag:s13] =	dma.local [spmem:s25], $0x7D0  }
0x13e: {  	_ =	swait.ge [sflag:s28], $0x7D0  }
0x13f: {  	[sflag:s28] =	ssyncset.done $0x0  }
0x140: {  	[sflag:s28] =	ssyncadd.s32 $0xFFFFF830  }
0x141: {  	_ =	sfence.sel $0x180000  }
0x142: {  	[bflag:$0x0] =	sbarrier.arrive $0xFFFF  }
0x143: {  	_ =	strace $0x90000047  }
0x144: {  	s0 =	stileid.u32;
	[bflag:$0x2] =	sbarrier.arrive $0xFFFF  }
0x145: {  	p0 =	sne.s32 s0, $0x0;
	s0 =	rddreg [dreg:$0x3]  }
0x146: {  	s0 =	sadd.s32 @!p0 $0x100000, s0  }
0x147: {  	[sflag:s0] =	ssyncadd.tile.s32 @!p0 $0x1;
	_ =	shalt  }
.Lfunc_end2:
_tile_overlayer_lowered:
.L_overlay_start_2:
0x148: {  	(tag) =	ssettag $0x2  }
0x149: {  	s0 =	rddreg [dreg:$0x0];
	s2 =	stileid.u32  }
0x14a: {  	s1 =	rddreg [dreg:$0x1];
	p0 =	sne.s32 s2, $0x0  }
0x14b: {  	s3 =	rddreg [dreg:$0x2];
	[bflag:$0x3] =	sbarrier.arrive $0xFFFF;
	s2 =	simm.s32 @!p0 $0x1C06  }
0x14c: {  	[timem:s3], [sflag:s2] =	dma.local @!p0 [hbm:s0], s1  }
0x14d: {  	s0 =	simm.s32 @!p0 $0x6  }
0x14e: {  	_ =	swait.ge @!p0 [sflag:s0], s1  }
0x14f: {  	s1 =	ssub.s32 @!p0 $0x0, s1;
	[sflag:s0] =	ssyncset.done @!p0 $0x0  }
0x150: {  	[sflag:s0] =	ssyncadd.s32 @!p0 s1  }
0x151: {  	[bflag:$0x3] =	sbarrier.arrive $0xFFFF  }
0x152: {  	_ =	shalt  }

</sc_bundles>
